<compile_context>
chip_gen: v7x
topology: tpu7x:2x2x1
jax: 0.10.2.dev20260603
libtpu: 0.0.44.dev20260713+nightly
codegen_flags: <defaults>
</compile_context>

<pallas_src>
import functools

import jax
import jax.numpy as jnp
from jax import lax
from jax.experimental import pallas as pl
from jax.experimental.pallas import tpu as pltpu
from jax.experimental.pallas import tpu_sc as plsc

POOLN = 7
PTS = POOLN * POOLN
PADC = 104
ROWW = 432
NWORK = 32


def _prep(boxes, positive_indices, shapes):
    (h0, w0), (h1, w1), (h2, w2) = shapes
    B, N = boxes.shape[0], boxes.shape[1]
    nbox = B * N
    fb = boxes.reshape(-1, 4)
    y1, x1, y2, x2 = fb[:, 0], fb[:, 1], fb[:, 2], fb[:, 3]
    h = y2 - y1
    w = x2 - x1
    roi_level = jnp.log(h * w) / jnp.log(2.0)
    lvl = jnp.minimum(5, jnp.maximum(3, jnp.ceil(5.0 + roi_level).astype(jnp.int32)))
    li = lvl - 3

    hm1 = jnp.array([h0 - 1, h1 - 1, h2 - 1], jnp.float32)[li]
    wm1 = jnp.array([w0 - 1, w1 - 1, w2 - 1], jnp.float32)[li]
    p = jnp.arange(POOLN, dtype=jnp.float32)
    in_y = y1[:, None] * hm1[:, None] + p[None, :] * (h * hm1 / (POOLN - 1))[:, None]
    in_x = x1[:, None] * wm1[:, None] + p[None, :] * (w * wm1 / (POOLN - 1))[:, None]
    top = jnp.floor(in_y)
    left = jnp.floor(in_x)
    t = jnp.clip(top, 0, hm1[:, None]).astype(jnp.int32)
    btm = jnp.clip(top + 1.0, 0, hm1[:, None]).astype(jnp.int32)
    lft = jnp.clip(left, 0, wm1[:, None]).astype(jnp.int32)
    rgt = jnp.clip(left + 1.0, 0, wm1[:, None]).astype(jnp.int32)
    yl = in_y - top
    xl = in_x - left
    vy = ((in_y >= 0) & (in_y <= hm1[:, None])).astype(jnp.float32)
    vx = ((in_x >= 0) & (in_x <= wm1[:, None])).astype(jnp.float32)
    pos = (positive_indices.reshape(-1) == 1).astype(jnp.float32)
    m = pos[:, None, None] * (vy[:, :, None] * vx[:, None, :])

    wtl = m * ((1.0 - yl)[:, :, None] * (1.0 - xl)[:, None, :])
    wtr = m * ((1.0 - yl)[:, :, None] * xl[:, None, :])
    wbl = m * (yl[:, :, None] * (1.0 - xl)[:, None, :])
    wbr = m * (yl[:, :, None] * xl[:, None, :])

    Wl = jnp.array([w0, w1, w2], jnp.int32)[li]
    HWl = jnp.array([h0 * w0, h1 * w1, h2 * w2], jnp.int32)[li]
    base = jnp.array([0, B * h0 * w0, B * (h0 * w0 + h1 * w1)], jnp.int32)[li]
    bi = jnp.arange(nbox, dtype=jnp.int32) // N
    base_b = base + bi * HWl
    iy_t = t * Wl[:, None]
    iy_b = btm * Wl[:, None]
    itl = base_b[:, None, None] + iy_t[:, :, None] + lft[:, None, :]
    itr = base_b[:, None, None] + iy_t[:, :, None] + rgt[:, None, :]
    ibl = base_b[:, None, None] + iy_b[:, :, None] + lft[:, None, :]
    ibr = base_b[:, None, None] + iy_b[:, :, None] + rgt[:, None, :]

    def pack(a, b):
        z = jnp.stack([a, b], axis=-1).reshape(nbox, 2 * PTS)
        return jnp.pad(z, ((0, 0), (0, PADC - 2 * PTS)))

    w_all = jnp.stack([wtl, wtr, wbl, wbr], axis=-1).reshape(nbox, 4 * PTS)
    comb = jnp.concatenate(
        [pack(itl, itr), pack(ibl, ibr),
         jax.lax.bitcast_convert_type(w_all, jnp.int32),
         jnp.zeros((nbox, ROWW - 2 * PADC - 4 * PTS), jnp.int32)], axis=1)
    return comb.astype(jnp.int32)


def _splat(vec, c):
    dn = lax.GatherDimensionNumbers(offset_dims=(), collapsed_slice_dims=(0,),
                                    start_index_map=(0,))
    idx = jnp.full((16,), c, jnp.int32)
    return lax.gather(vec, idx[:, None], dn, (1,),
                      mode=lax.GatherScatterMode.PROMISE_IN_BOUNDS)


def _sc_pool(table, comb_all, B, N, C):
    nbox = B * N
    nbox_pad = comb_all.shape[0] // ROWW
    steps = nbox_pad // NWORK
    mesh = plsc.VectorSubcoreMesh(core_axis_name="c", subcore_axis_name="s",
                                  num_cores=2, num_subcores=16)

    @functools.partial(
        pl.kernel,
        out_type=jax.ShapeDtypeStruct((B, N, POOLN, POOLN, C), jnp.float32),
        mesh=mesh,
        scratch_types=[
            pltpu.VMEM((ROWW,), jnp.int32),
            pltpu.VMEM((PADC, C), jnp.float32),
            pltpu.VMEM((PADC, C), jnp.float32),
            pltpu.VMEM((POOLN, POOLN, C), jnp.float32),
            pltpu.SemaphoreType.DMA,
            pltpu.SemaphoreType.DMA,
        ],
        compiler_params=pltpu.CompilerParams(needs_layout_passes=False),
    )
    def body(comb_hbm, table_hbm, out_hbm, cv, rows_a, rows_b, out_v,
             sem_a, sem_b):
        wid = lax.axis_index("s") * 2 + lax.axis_index("c")

        def box_step(j, carry):
            box = j * NWORK + wid

            @pl.when(box < nbox)
            def _():
                pltpu.sync_copy(comb_hbm.at[pl.ds(box * ROWW, ROWW)], cv)
                cp_a = pltpu.async_copy(
                    table_hbm.at[cv.at[pl.ds(0, PADC)]], rows_a, sem_a)
                cp_b = pltpu.async_copy(
                    table_hbm.at[cv.at[pl.ds(PADC, PADC)]], rows_b, sem_b)
                cp_a.wait()
                cp_b.wait()

                def pt_step(p, c2):
                    py = p // POOLN
                    px = p - py * POOLN
                    w16 = plsc.bitcast(cv[pl.ds(2 * PADC + 4 * p, 16)],
                                       jnp.float32)
                    wtl = _splat(w16, 0)
                    wtr = _splat(w16, 1)
                    wbl = _splat(w16, 2)
                    wbr = _splat(w16, 3)
                    for k in range(C // 16):
                        s = pl.ds(k * 16, 16)
                        acc = (rows_a[2 * p, s] * wtl + rows_a[2 * p + 1, s] * wtr
                               + rows_b[2 * p, s] * wbl + rows_b[2 * p + 1, s] * wbr)
                        out_v[py, px, s] = acc
                    return c2

                lax.fori_loop(0, PTS, pt_step, 0)
                bi = box // N
                pltpu.sync_copy(out_v, out_hbm.at[bi, box - bi * N])

            return carry

        lax.fori_loop(0, steps, box_step, 0)

    return body(comb_all, table)


def kernel(boxes, positive_indices, feature_maps_0, feature_maps_1,
           feature_maps_2, config):
    B, N = boxes.shape[0], boxes.shape[1]
    C = feature_maps_0.shape[-1]
    nbox = B * N
    shapes = [(f.shape[1], f.shape[2]) for f in
              (feature_maps_0, feature_maps_1, feature_maps_2)]
    comb = _prep(boxes, positive_indices, shapes)
    nbox_pad = ((nbox + NWORK - 1) // NWORK) * NWORK
    comb = jnp.pad(comb, ((0, nbox_pad - nbox), (0, 0))).reshape(-1)
    table = jnp.concatenate([feature_maps_0.reshape(-1, C),
                             feature_maps_1.reshape(-1, C),
                             feature_maps_2.reshape(-1, C)], axis=0)
    return _sc_pool(table, comb, B, N, C)

# --- scband reference (transcript-rebuilt; emitter-appended) ---
"""Pipeline reference for scband-pyramid-roialign-69801808495427 (READ-ONLY COPY).

The authoritative reference and input builder live on the scoring server;
editing this copy changes nothing except your own understanding.
"""

import jax, jax.numpy as jnp
import numpy as np

POOL = (7, 7)


def crop_and_resize(image, boxes, box_indices, crop_size):
    H = image.shape[1]
    W = image.shape[2]
    ch, cw = crop_size
    y1 = boxes[:, 0]; x1 = boxes[:, 1]; y2 = boxes[:, 2]; x2 = boxes[:, 3]
    py = jnp.arange(ch, dtype=jnp.float32)
    px = jnp.arange(cw, dtype=jnp.float32)
    in_y = y1[:, None] * (H - 1) + py[None, :] * ((y2 - y1) * (H - 1) / (ch - 1))[:, None]
    in_x = x1[:, None] * (W - 1) + px[None, :] * ((x2 - x1) * (W - 1) / (cw - 1))[:, None]
    top = jnp.floor(in_y)
    left = jnp.floor(in_x)
    yl = (in_y - top)[:, :, None, None]
    xl = (in_x - left)[:, None, :, None]
    t = jnp.clip(top, 0, H - 1).astype(jnp.int32)
    b = jnp.clip(top + 1.0, 0, H - 1).astype(jnp.int32)
    l = jnp.clip(left, 0, W - 1).astype(jnp.int32)
    r = jnp.clip(left + 1.0, 0, W - 1).astype(jnp.int32)
    bi = box_indices[:, None, None]
    tl = image[bi, t[:, :, None], l[:, None, :], :]
    tr = image[bi, t[:, :, None], r[:, None, :], :]
    bl = image[bi, b[:, :, None], l[:, None, :], :]
    br = image[bi, b[:, :, None], r[:, None, :], :]
    top_v = tl + (tr - tl) * xl
    bot_v = bl + (br - bl) * xl
    val = top_v + (bot_v - top_v) * yl
    valid = ((in_y >= 0) & (in_y <= H - 1))[:, :, None] & ((in_x >= 0) & (in_x <= W - 1))[:, None, :]
    return val * valid[:, :, :, None].astype(val.dtype)


def _forward(boxes, positive_indices, fmaps):
    B, N = boxes.shape[0], boxes.shape[1]
    C = fmaps[0].shape[-1]
    y1, x1, y2, x2 = jnp.split(boxes, 4, axis=2)
    h = y2 - y1
    w = x2 - x1
    roi_level = jnp.log(h * w) / jnp.log(2.0)
    roi_level = jnp.minimum(5, jnp.maximum(3, jnp.ceil(5.0 + roi_level).astype(jnp.int32)))
    roi_level = jnp.squeeze(roi_level, 2)
    flat_boxes = jax.lax.stop_gradient(boxes.reshape(-1, 4))
    box_indices = jnp.repeat(jnp.arange(B, dtype=jnp.int32), N)
    level_flat = roi_level.reshape(-1)
    pos_flat = positive_indices.reshape(-1)
    out = jnp.zeros((B * N, POOL[0], POOL[1], C), dtype=fmaps[0].dtype)
    for i, level in enumerate(range(3, 6)):
        sel = (level_flat == level) & (pos_flat == 1)
        pooled = crop_and_resize(fmaps[i], flat_boxes, box_indices, POOL)
        out = jnp.where(sel[:, None, None, None], pooled, out)
    return out.reshape(B, N, POOL[0], POOL[1], C)


def setup_inputs(seed: int = 0):
    key = jax.random.key(seed)
    ks = jax.random.split(key, 7)
    B, N, C = 2, 1000, 256
    cy = jax.random.uniform(ks[0], (B, N))
    cx = jax.random.uniform(ks[1], (B, N))
    hh = jax.random.uniform(ks[2], (B, N), minval=0.05, maxval=0.8)
    ww = jax.random.uniform(ks[3], (B, N), minval=0.05, maxval=0.8)
    y1 = cy * (1.0 - hh)
    x1 = cx * (1.0 - ww)
    boxes = jnp.stack([y1, x1, y1 + hh, x1 + ww], axis=2)
    return {
        "boxes": boxes,
        "positive_indices": jnp.ones((B, N), dtype=jnp.int32),
        "feature_maps_0": jax.random.normal(ks[4], (B, 128, 128, C), dtype=jnp.float32),
        "feature_maps_1": jax.random.normal(ks[5], (B, 64, 64, C), dtype=jnp.float32),
        "feature_maps_2": jax.random.normal(ks[6], (B, 32, 32, C), dtype=jnp.float32),
        "config": 0,
    }


def reference(boxes, positive_indices, feature_maps_0, feature_maps_1, feature_maps_2, config):
    return _forward(boxes, positive_indices, [feature_maps_0, feature_maps_1, feature_maps_2])

if __name__ == "__main__":
    import jax
    _d = setup_inputs()
    print(jax.jit(kernel)(*tuple(_d.values())))

</pallas_src>

<mosaic_0001>
#map = affine_map<(d0, d1) -> (0)>
#map1 = affine_map<(d0, d1) -> (0, 0)>
#map2 = affine_map<(d0, d1) -> (0, 0, 0, 0, 0)>
module attributes {stable_mosaic.version = 14 : i64} {
  func.func @body(%arg0: i32, %arg1: i32, %arg2: memref<870912xi32, #tpu.memory_space<hbm>>, %arg3: memref<43008x256xf32, #tpu.memory_space<hbm>>, %arg4: memref<2x1000x7x7x256xf32, #tpu.memory_space<hbm>>, %arg5: memref<432xi32, #tpu.memory_space<vmem>>, %arg6: memref<104x256xf32, #tpu.memory_space<vmem>>, %arg7: memref<104x256xf32, #tpu.memory_space<vmem>>, %arg8: memref<7x7x256xf32, #tpu.memory_space<vmem>>, %arg9: memref<!tpu.dma_semaphore, #tpu.memory_space<semaphore_mem>>, %arg10: memref<!tpu.dma_semaphore, #tpu.memory_space<semaphore_mem>>) attributes {dimension_semantics = [#tpu.dimension_semantics<core_parallel>, #tpu.dimension_semantics<subcore_parallel>], iteration_bounds = array<i64: 2, 16>, scalar_prefetch = 0 : i64, scratch_operands = 6 : i64, tpu.core_type = #tpu.core_type<sc_vector_subcore>, window_params = [{transform_indices = #map}, {transform_indices = #map1}, {transform_indices = #map2}]} {
    %mul3A = arith.constant 2 : i32
    %mul3A_0 = arith.muli %arg1, %mul3A : i32
    %add3A = arith.addi %mul3A_0, %arg0 : i32
    %scan3A = arith.constant 0 : i32
    %scan3A_1 = arith.constant 0 : i32
    %scan3A_2 = arith.constant 63 : i32
    %scan3A_3 = arith.addi %scan3A_1, %scan3A_2 : i32
    %scan3A_4 = arith.constant 1 : i32
    scf.for %scan3A_6 = %scan3A_1 to %scan3A_3 step %scan3A_4  : i32 {
      %mul3A_7 = arith.constant 32 : i32
      %mul3A_8 = arith.muli %scan3A_6, %mul3A_7 : i32
      %add3A_9 = arith.addi %mul3A_8, %add3A : i32
      %lt3A = arith.constant 2000 : i32
      %lt3A_10 = arith.cmpi slt, %add3A_9, %lt3A : i32
      %convert_element_type3A = arith.extui %lt3A_10 : i1 to i32
      %cond3A = arith.constant 0 : i32
      %cond3A_11 = arith.cmpi ne, %convert_element_type3A, %cond3A : i32
      scf.if %cond3A_11 {
        %mul3A_12 = arith.constant 432 : i32
        %mul3A_13 = arith.muli %add3A_9, %mul3A_12 : i32
        "tpu.region"() ({
          %run_scoped3A = tpu.sem_alloc : memref<!tpu.dma_semaphore, #tpu.memory_space<semaphore_mem>>
          %dma_start3A_57 = tpu.memref_slice %arg2[%mul3A_13] : memref<870912xi32, #tpu.memory_space<hbm>> -> memref<432xi32, #tpu.memory_space<hbm>>
          %dma_start3A_58 = tpu.memref_slice %arg2[%mul3A_13] : memref<870912xi32, #tpu.memory_space<hbm>> -> memref<432xi32, #tpu.memory_space<hbm>>
          tpu.enqueue_dma source(%dma_start3A_58 : memref<432xi32, #tpu.memory_space<hbm>>) target(%arg5 : memref<432xi32, #tpu.memory_space<vmem>>) target_semaphore(%run_scoped3A : memref<!tpu.dma_semaphore, #tpu.memory_space<semaphore_mem>>)
          %dma_wait3A_59 = tpu.memref_slice %arg2[%mul3A_13] : memref<870912xi32, #tpu.memory_space<hbm>> -> memref<432xi32, #tpu.memory_space<hbm>>
          %dma_wait3A_60 = tpu.memref_slice %arg2[%mul3A_13] : memref<870912xi32, #tpu.memory_space<hbm>> -> memref<432xi32, #tpu.memory_space<hbm>>
          tpu.wait_dma2 semaphore(%run_scoped3A : memref<!tpu.dma_semaphore, #tpu.memory_space<semaphore_mem>>) src(%dma_wait3A_60 : memref<432xi32, #tpu.memory_space<hbm>>) dst(%arg5 : memref<432xi32, #tpu.memory_space<vmem>>)
          tpu.yield
        }) : () -> ()
        %dma_start3A = arith.constant 0 : i32
        %dma_start3A_14 = tpu.memref_slice %arg5[%dma_start3A] : memref<432xi32, #tpu.memory_space<vmem>> -> memref<104xi32, #tpu.memory_space<vmem>>
        %dma_start3A_15 = arith.constant 0 : i32
        %dma_start3A_16 = arith.constant 0 : i32
        %dma_start3A_17 = tpu.memref_slice %arg3[%dma_start3A_15, %dma_start3A_16] : memref<43008x256xf32, #tpu.memory_space<hbm>> -> memref<43008x256xf32, #tpu.memory_space<hbm>>
        tpu.enqueue_indirect_dma source(%dma_start3A_17 : memref<43008x256xf32, #tpu.memory_space<hbm>>) target(%arg6 : memref<104x256xf32, #tpu.memory_space<vmem>>) offsets(%dma_start3A_14 : memref<104xi32, #tpu.memory_space<vmem>>) semaphore(%arg9 : memref<!tpu.dma_semaphore, #tpu.memory_space<semaphore_mem>>)
        %dma_start3A_18 = arith.constant 104 : i32
        %dma_start3A_19 = tpu.memref_slice %arg5[%dma_start3A_18] : memref<432xi32, #tpu.memory_space<vmem>> -> memref<104xi32, #tpu.memory_space<vmem>>
        %dma_start3A_20 = arith.constant 0 : i32
        %dma_start3A_21 = arith.constant 0 : i32
        %dma_start3A_22 = tpu.memref_slice %arg3[%dma_start3A_20, %dma_start3A_21] : memref<43008x256xf32, #tpu.memory_space<hbm>> -> memref<43008x256xf32, #tpu.memory_space<hbm>>
        tpu.enqueue_indirect_dma source(%dma_start3A_22 : memref<43008x256xf32, #tpu.memory_space<hbm>>) target(%arg7 : memref<104x256xf32, #tpu.memory_space<vmem>>) offsets(%dma_start3A_19 : memref<104xi32, #tpu.memory_space<vmem>>) semaphore(%arg10 : memref<!tpu.dma_semaphore, #tpu.memory_space<semaphore_mem>>)
        %dma_wait3A = arith.constant 0 : i32
        %dma_wait3A_23 = tpu.memref_slice %arg5[%dma_wait3A] : memref<432xi32, #tpu.memory_space<vmem>> -> memref<104xi32, #tpu.memory_space<vmem>>
        %dma_wait3A_24 = arith.constant 0 : i32
        %dma_wait3A_25 = arith.constant 0 : i32
        %dma_wait3A_26 = tpu.memref_slice %arg3[%dma_wait3A_24, %dma_wait3A_25] : memref<43008x256xf32, #tpu.memory_space<hbm>> -> memref<43008x256xf32, #tpu.memory_space<hbm>>
        tpu.wait_indirect_dma semaphore(%arg9 : memref<!tpu.dma_semaphore, #tpu.memory_space<semaphore_mem>>) src(%dma_wait3A_26 : memref<43008x256xf32, #tpu.memory_space<hbm>>) dst(%arg6 : memref<104x256xf32, #tpu.memory_space<vmem>>)
        %dma_wait3A_27 = arith.constant 104 : i32
        %dma_wait3A_28 = tpu.memref_slice %arg5[%dma_wait3A_27] : memref<432xi32, #tpu.memory_space<vmem>> -> memref<104xi32, #tpu.memory_space<vmem>>
        %dma_wait3A_29 = arith.constant 0 : i32
        %dma_wait3A_30 = arith.constant 0 : i32
        %dma_wait3A_31 = tpu.memref_slice %arg3[%dma_wait3A_29, %dma_wait3A_30] : memref<43008x256xf32, #tpu.memory_space<hbm>> -> memref<43008x256xf32, #tpu.memory_space<hbm>>
        tpu.wait_indirect_dma semaphore(%arg10 : memref<!tpu.dma_semaphore, #tpu.memory_space<semaphore_mem>>) src(%dma_wait3A_31 : memref<43008x256xf32, #tpu.memory_space<hbm>>) dst(%arg7 : memref<104x256xf32, #tpu.memory_space<vmem>>)
        %scan3A_32 = arith.constant 0 : i32
        %scan3A_33 = arith.constant 0 : i32
        %scan3A_34 = arith.constant 49 : i32
        %scan3A_35 = arith.addi %scan3A_33, %scan3A_34 : i32
        %scan3A_36 = arith.constant 1 : i32
        scf.for %scan3A_57 = %scan3A_33 to %scan3A_35 step %scan3A_36  : i32 {
          %jit3A_58 = arith.constant 7 : i32
          %div3A_59 = arith.divsi %scan3A_57, %jit3A_58 : i32
          %sign3A_60 = arith.constant 0 : i32
          %sign3A_61 = arith.cmpi sgt, %scan3A_57, %sign3A_60 : i32
          %sign3A_62 = arith.extui %sign3A_61 : i1 to i32
          %sign3A_63 = arith.constant 0 : i32
          %sign3A_64 = arith.cmpi slt, %scan3A_57, %sign3A_63 : i32
          %sign3A_65 = arith.extui %sign3A_64 : i1 to i32
          %sign3A_66 = arith.subi %sign3A_62, %sign3A_65 : i32
          %sign3A_67 = arith.constant 0 : i32
          %sign3A_68 = arith.cmpi sgt, %jit3A_58, %sign3A_67 : i32
          %sign3A_69 = arith.extui %sign3A_68 : i1 to i32
          %sign3A_70 = arith.constant 0 : i32
          %sign3A_71 = arith.cmpi slt, %jit3A_58, %sign3A_70 : i32
          %sign3A_72 = arith.extui %sign3A_71 : i1 to i32
          %sign3A_73 = arith.subi %sign3A_69, %sign3A_72 : i32
          %ne3A_74 = arith.cmpi ne, %sign3A_66, %sign3A_73 : i32
          %rem3A_75 = arith.remsi %scan3A_57, %jit3A_58 : i32
          %ne3A_76 = arith.constant 0 : i32
          %ne3A_77 = arith.cmpi ne, %rem3A_75, %ne3A_76 : i32
          %and3A_78 = arith.andi %ne3A_74, %ne3A_77 : i1
          %sub3A_79 = arith.constant 1 : i32
          %sub3A_80 = arith.subi %div3A_59, %sub3A_79 : i32
          %select_n3A_81 = arith.select %and3A_78, %sub3A_80, %div3A_59 : i32
          %mul3A_82 = arith.constant 7 : i32
          %mul3A_83 = arith.muli %select_n3A_81, %mul3A_82 : i32
          %sub3A_84 = arith.subi %scan3A_57, %mul3A_83 : i32
          %mul3A_85 = arith.constant 4 : i32
          %mul3A_86 = arith.muli %mul3A_85, %scan3A_57 : i32
          %add3A_87 = arith.constant 208 : i32
          %add3A_88 = arith.addi %add3A_87, %mul3A_86 : i32
          %get3A = arith.index_cast %add3A_88 : i32 to index
          %get3A_89 = tpu.vector_load %arg5[%get3A] {strides = array<i32>} : memref<432xi32, #tpu.memory_space<vmem>>, vector<16xi32>,
          %bitcast3A = vector.bitcast %get3A_89 : vector<16xi32> to vector<16xf32>
          %broadcast_in_dim3A = arith.constant 0 : i32
          %broadcast_in_dim3A_90 = vector.broadcast %broadcast_in_dim3A : i32 to vector<16xi32>
          %broadcast_in_dim3A_91 = vector.shape_cast %broadcast_in_dim3A_90 : vector<16xi32> to vector<16x1xi32>
          %gather3A = vector.shape_cast %broadcast_in_dim3A_91 : vector<16x1xi32> to vector<16xi32>
          %gather3A_92 = tpu.dynamic_gather %bitcast3A[%gather3A] in [0] : vector<16xf32>, vector<16xi32> -> vector<16xf32>
          %broadcast_in_dim3A_93 = arith.constant 1 : i32
          %broadcast_in_dim3A_94 = vector.broadcast %broadcast_in_dim3A_93 : i32 to vector<16xi32>
          %broadcast_in_dim3A_95 = vector.shape_cast %broadcast_in_dim3A_94 : vector<16xi32> to vector<16x1xi32>
          %gather3A_96 = vector.shape_cast %broadcast_in_dim3A_95 : vector<16x1xi32> to vector<16xi32>
          %gather3A_97 = tpu.dynamic_gather %bitcast3A[%gather3A_96] in [0] : vector<16xf32>, vector<16xi32> -> vector<16xf32>
          %broadcast_in_dim3A_98 = arith.constant 2 : i32
          %broadcast_in_dim3A_99 = vector.broadcast %broadcast_in_dim3A_98 : i32 to vector<16xi32>
          %broadcast_in_dim3A_100 = vector.shape_cast %broadcast_in_dim3A_99 : vector<16xi32> to vector<16x1xi32>
          %gather3A_101 = vector.shape_cast %broadcast_in_dim3A_100 : vector<16x1xi32> to vector<16xi32>
          %gather3A_102 = tpu.dynamic_gather %bitcast3A[%gather3A_101] in [0] : vector<16xf32>, vector<16xi32> -> vector<16xf32>
          %broadcast_in_dim3A_103 = arith.constant 3 : i32
          %broadcast_in_dim3A_104 = vector.broadcast %broadcast_in_dim3A_103 : i32 to vector<16xi32>
          %broadcast_in_dim3A_105 = vector.shape_cast %broadcast_in_dim3A_104 : vector<16xi32> to vector<16x1xi32>
          %gather3A_106 = vector.shape_cast %broadcast_in_dim3A_105 : vector<16x1xi32> to vector<16xi32>
          %gather3A_107 = tpu.dynamic_gather %bitcast3A[%gather3A_106] in [0] : vector<16xf32>, vector<16xi32> -> vector<16xf32>
          %mul3A_108 = arith.constant 2 : i32
          %mul3A_109 = arith.muli %mul3A_108, %scan3A_57 : i32
          %get3A_110 = arith.index_cast %mul3A_109 : i32 to index
          %get3A_111 = arith.constant 0 : index
          %get3A_112 = tpu.vector_load %arg6[%get3A_110, %get3A_111] {strides = array<i32>} : memref<104x256xf32, #tpu.memory_space<vmem>>, vector<16xf32>,
          %mul3A_113 = arith.mulf %get3A_112, %gather3A_92 : vector<16xf32>
          %mul3A_114 = arith.constant 2 : i32
          %mul3A_115 = arith.muli %mul3A_114, %scan3A_57 : i32
          %add3A_116 = arith.constant 1 : i32
          %add3A_117 = arith.addi %mul3A_115, %add3A_116 : i32
          %get3A_118 = arith.index_cast %add3A_117 : i32 to index
          %get3A_119 = arith.constant 0 : index
          %get3A_120 = tpu.vector_load %arg6[%get3A_118, %get3A_119] {strides = array<i32>} : memref<104x256xf32, #tpu.memory_space<vmem>>, vector<16xf32>,
          %mul3A_121 = arith.mulf %get3A_120, %gather3A_97 : vector<16xf32>
          %add3A_122 = arith.addf %mul3A_113, %mul3A_121 : vector<16xf32>
          %mul3A_123 = arith.constant 2 : i32
          %mul3A_124 = arith.muli %mul3A_123, %scan3A_57 : i32
          %get3A_125 = arith.index_cast %mul3A_124 : i32 to index
          %get3A_126 = arith.constant 0 : index
          %get3A_127 = tpu.vector_load %arg7[%get3A_125, %get3A_126] {strides = array<i32>} : memref<104x256xf32, #tpu.memory_space<vmem>>, vector<16xf32>,
          %mul3A_128 = arith.mulf %get3A_127, %gather3A_102 : vector<16xf32>
          %add3A_129 = arith.addf %add3A_122, %mul3A_128 : vector<16xf32>
          %mul3A_130 = arith.constant 2 : i32
          %mul3A_131 = arith.muli %mul3A_130, %scan3A_57 : i32
          %add3A_132 = arith.constant 1 : i32
          %add3A_133 = arith.addi %mul3A_131, %add3A_132 : i32
          %get3A_134 = arith.index_cast %add3A_133 : i32 to index
          %get3A_135 = arith.constant 0 : index
          %get3A_136 = tpu.vector_load %arg7[%get3A_134, %get3A_135] {strides = array<i32>} : memref<104x256xf32, #tpu.memory_space<vmem>>, vector<16xf32>,
          %mul3A_137 = arith.mulf %get3A_136, %gather3A_107 : vector<16xf32>
          %add3A_138 = arith.addf %add3A_129, %mul3A_137 : vector<16xf32>
          %swap3A = arith.index_cast %select_n3A_81 : i32 to index
          %swap3A_139 = arith.index_cast %sub3A_84 : i32 to index
          %swap3A_140 = arith.constant 0 : index
          %swap3A_141 = tpu.vector_load %arg8[%swap3A, %swap3A_139, %swap3A_140] {strides = array<i32>} : memref<7x7x256xf32, #tpu.memory_space<vmem>>, vector<16xf32>,
          tpu.vector_store %arg8[%swap3A, %swap3A_139, %swap3A_140], %add3A_138 {strides = array<i32>} : memref<7x7x256xf32, #tpu.memory_space<vmem>>, vector<16xf32>,
          %mul3A_142 = arith.constant 2 : i32
          %mul3A_143 = arith.muli %mul3A_142, %scan3A_57 : i32
          %get3A_144 = arith.index_cast %mul3A_143 : i32 to index
          %get3A_145 = arith.constant 16 : index
          %get3A_146 = tpu.vector_load %arg6[%get3A_144, %get3A_145] {strides = array<i32>} : memref<104x256xf32, #tpu.memory_space<vmem>>, vector<16xf32>,
          %mul3A_147 = arith.mulf %get3A_146, %gather3A_92 : vector<16xf32>
          %mul3A_148 = arith.constant 2 : i32
          %mul3A_149 = arith.muli %mul3A_148, %scan3A_57 : i32
          %add3A_150 = arith.constant 1 : i32
          %add3A_151 = arith.addi %mul3A_149, %add3A_150 : i32
          %get3A_152 = arith.index_cast %add3A_151 : i32 to index
          %get3A_153 = arith.constant 16 : index
          %get3A_154 = tpu.vector_load %arg6[%get3A_152, %get3A_153] {strides = array<i32>} : memref<104x256xf32, #tpu.memory_space<vmem>>, vector<16xf32>,
          %mul3A_155 = arith.mulf %get3A_154, %gather3A_97 : vector<16xf32>
          %add3A_156 = arith.addf %mul3A_147, %mul3A_155 : vector<16xf32>
          %mul3A_157 = arith.constant 2 : i32
          %mul3A_158 = arith.muli %mul3A_157, %scan3A_57 : i32
          %get3A_159 = arith.index_cast %mul3A_158 : i32 to index
          %get3A_160 = arith.constant 16 : index
          %get3A_161 = tpu.vector_load %arg7[%get3A_159, %get3A_160] {strides = array<i32>} : memref<104x256xf32, #tpu.memory_space<vmem>>, vector<16xf32>,
          %mul3A_162 = arith.mulf %get3A_161, %gather3A_102 : vector<16xf32>
          %add3A_163 = arith.addf %add3A_156, %mul3A_162 : vector<16xf32>
          %mul3A_164 = arith.constant 2 : i32
          %mul3A_165 = arith.muli %mul3A_164, %scan3A_57 : i32
          %add3A_166 = arith.constant 1 : i32
          %add3A_167 = arith.addi %mul3A_165, %add3A_166 : i32
          %get3A_168 = arith.index_cast %add3A_167 : i32 to index
          %get3A_169 = arith.constant 16 : index
          %get3A_170 = tpu.vector_load %arg7[%get3A_168, %get3A_169] {strides = array<i32>} : memref<104x256xf32, #tpu.memory_space<vmem>>, vector<16xf32>,
          %mul3A_171 = arith.mulf %get3A_170, %gather3A_107 : vector<16xf32>
          %add3A_172 = arith.addf %add3A_163, %mul3A_171 : vector<16xf32>
          %swap3A_173 = arith.index_cast %select_n3A_81 : i32 to index
          %swap3A_174 = arith.index_cast %sub3A_84 : i32 to index
          %swap3A_175 = arith.constant 16 : index
          %swap3A_176 = tpu.vector_load %arg8[%swap3A_173, %swap3A_174, %swap3A_175] {strides = array<i32>} : memref<7x7x256xf32, #tpu.memory_space<vmem>>, vector<16xf32>,
          tpu.vector_store %arg8[%swap3A_173, %swap3A_174, %swap3A_175], %add3A_172 {strides = array<i32>} : memref<7x7x256xf32, #tpu.memory_space<vmem>>, vector<16xf32>,
          %mul3A_177 = arith.constant 2 : i32
          %mul3A_178 = arith.muli %mul3A_177, %scan3A_57 : i32
          %get3A_179 = arith.index_cast %mul3A_178 : i32 to index
          %get3A_180 = arith.constant 32 : index
          %get3A_181 = tpu.vector_load %arg6[%get3A_179, %get3A_180] {strides = array<i32>} : memref<104x256xf32, #tpu.memory_space<vmem>>, vector<16xf32>,
          %mul3A_182 = arith.mulf %get3A_181, %gather3A_92 : vector<16xf32>
          %mul3A_183 = arith.constant 2 : i32
          %mul3A_184 = arith.muli %mul3A_183, %scan3A_57 : i32
          %add3A_185 = arith.constant 1 : i32
          %add3A_186 = arith.addi %mul3A_184, %add3A_185 : i32
          %get3A_187 = arith.index_cast %add3A_186 : i32 to index
          %get3A_188 = arith.constant 32 : index
          %get3A_189 = tpu.vector_load %arg6[%get3A_187, %get3A_188] {strides = array<i32>} : memref<104x256xf32, #tpu.memory_space<vmem>>, vector<16xf32>,
          %mul3A_190 = arith.mulf %get3A_189, %gather3A_97 : vector<16xf32>
          %add3A_191 = arith.addf %mul3A_182, %mul3A_190 : vector<16xf32>
          %mul3A_192 = arith.constant 2 : i32
          %mul3A_193 = arith.muli %mul3A_192, %scan3A_57 : i32
          %get3A_194 = arith.index_cast %mul3A_193 : i32 to index
          %get3A_195 = arith.constant 32 : index
          %get3A_196 = tpu.vector_load %arg7[%get3A_194, %get3A_195] {strides = array<i32>} : memref<104x256xf32, #tpu.memory_space<vmem>>, vector<16xf32>,
          %mul3A_197 = arith.mulf %get3A_196, %gather3A_102 : vector<16xf32>
          %add3A_198 = arith.addf %add3A_191, %mul3A_197 : vector<16xf32>
          %mul3A_199 = arith.constant 2 : i32
          %mul3A_200 = arith.muli %mul3A_199, %scan3A_57 : i32
          %add3A_201 = arith.constant 1 : i32
          %add3A_202 = arith.addi %mul3A_200, %add3A_201 : i32
          %get3A_203 = arith.index_cast %add3A_202 : i32 to index
          %get3A_204 = arith.constant 32 : index
          %get3A_205 = tpu.vector_load %arg7[%get3A_203, %get3A_204] {strides = array<i32>} : memref<104x256xf32, #tpu.memory_space<vmem>>, vector<16xf32>,
          %mul3A_206 = arith.mulf %get3A_205, %gather3A_107 : vector<16xf32>
          %add3A_207 = arith.addf %add3A_198, %mul3A_206 : vector<16xf32>
          %swap3A_208 = arith.index_cast %select_n3A_81 : i32 to index
          %swap3A_209 = arith.index_cast %sub3A_84 : i32 to index
          %swap3A_210 = arith.constant 32 : index
          %swap3A_211 = tpu.vector_load %arg8[%swap3A_208, %swap3A_209, %swap3A_210] {strides = array<i32>} : memref<7x7x256xf32, #tpu.memory_space<vmem>>, vector<16xf32>,
          tpu.vector_store %arg8[%swap3A_208, %swap3A_209, %swap3A_210], %add3A_207 {strides = array<i32>} : memref<7x7x256xf32, #tpu.memory_space<vmem>>, vector<16xf32>,
          %mul3A_212 = arith.constant 2 : i32
          %mul3A_213 = arith.muli %mul3A_212, %scan3A_57 : i32
          %get3A_214 = arith.index_cast %mul3A_213 : i32 to index
          %get3A_215 = arith.constant 48 : index
          %get3A_216 = tpu.vector_load %arg6[%get3A_214, %get3A_215] {strides = array<i32>} : memref<104x256xf32, #tpu.memory_space<vmem>>, vector<16xf32>,
          %mul3A_217 = arith.mulf %get3A_216, %gather3A_92 : vector<16xf32>
          %mul3A_218 = arith.constant 2 : i32
          %mul3A_219 = arith.muli %mul3A_218, %scan3A_57 : i32
          %add3A_220 = arith.constant 1 : i32
          %add3A_221 = arith.addi %mul3A_219, %add3A_220 : i32
          %get3A_222 = arith.index_cast %add3A_221 : i32 to index
          %get3A_223 = arith.constant 48 : index
          %get3A_224 = tpu.vector_load %arg6[%get3A_222, %get3A_223] {strides = array<i32>} : memref<104x256xf32, #tpu.memory_space<vmem>>, vector<16xf32>,
          %mul3A_225 = arith.mulf %get3A_224, %gather3A_97 : vector<16xf32>
          %add3A_226 = arith.addf %mul3A_217, %mul3A_225 : vector<16xf32>
          %mul3A_227 = arith.constant 2 : i32
          %mul3A_228 = arith.muli %mul3A_227, %scan3A_57 : i32
          %get3A_229 = arith.index_cast %mul3A_228 : i32 to index
          %get3A_230 = arith.constant 48 : index
          %get3A_231 = tpu.vector_load %arg7[%get3A_229, %get3A_230] {strides = array<i32>} : memref<104x256xf32, #tpu.memory_space<vmem>>, vector<16xf32>,
          %mul3A_232 = arith.mulf %get3A_231, %gather3A_102 : vector<16xf32>
          %add3A_233 = arith.addf %add3A_226, %mul3A_232 : vector<16xf32>
          %mul3A_234 = arith.constant 2 : i32
          %mul3A_235 = arith.muli %mul3A_234, %scan3A_57 : i32
          %add3A_236 = arith.constant 1 : i32
          %add3A_237 = arith.addi %mul3A_235, %add3A_236 : i32
          %get3A_238 = arith.index_cast %add3A_237 : i32 to index
          %get3A_239 = arith.constant 48 : index
          %get3A_240 = tpu.vector_load %arg7[%get3A_238, %get3A_239] {strides = array<i32>} : memref<104x256xf32, #tpu.memory_space<vmem>>, vector<16xf32>,
          %mul3A_241 = arith.mulf %get3A_240, %gather3A_107 : vector<16xf32>
          %add3A_242 = arith.addf %add3A_233, %mul3A_241 : vector<16xf32>
          %swap3A_243 = arith.index_cast %select_n3A_81 : i32 to index
          %swap3A_244 = arith.index_cast %sub3A_84 : i32 to index
          %swap3A_245 = arith.constant 48 : index
          %swap3A_246 = tpu.vector_load %arg8[%swap3A_243, %swap3A_244, %swap3A_245] {strides = array<i32>} : memref<7x7x256xf32, #tpu.memory_space<vmem>>, vector<16xf32>,
          tpu.vector_store %arg8[%swap3A_243, %swap3A_244, %swap3A_245], %add3A_242 {strides = array<i32>} : memref<7x7x256xf32, #tpu.memory_space<vmem>>, vector<16xf32>,
          %mul3A_247 = arith.constant 2 : i32
          %mul3A_248 = arith.muli %mul3A_247, %scan3A_57 : i32
          %get3A_249 = arith.index_cast %mul3A_248 : i32 to index
          %get3A_250 = arith.constant 64 : index
          %get3A_251 = tpu.vector_load %arg6[%get3A_249, %get3A_250] {strides = array<i32>} : memref<104x256xf32, #tpu.memory_space<vmem>>, vector<16xf32>,
          %mul3A_252 = arith.mulf %get3A_251, %gather3A_92 : vector<16xf32>
          %mul3A_253 = arith.constant 2 : i32
          %mul3A_254 = arith.muli %mul3A_253, %scan3A_57 : i32
          %add3A_255 = arith.constant 1 : i32
          %add3A_256 = arith.addi %mul3A_254, %add3A_255 : i32
          %get3A_257 = arith.index_cast %add3A_256 : i32 to index
          %get3A_258 = arith.constant 64 : index
          %get3A_259 = tpu.vector_load %arg6[%get3A_257, %get3A_258] {strides = array<i32>} : memref<104x256xf32, #tpu.memory_space<vmem>>, vector<16xf32>,
          %mul3A_260 = arith.mulf %get3A_259, %gather3A_97 : vector<16xf32>
          %add3A_261 = arith.addf %mul3A_252, %mul3A_260 : vector<16xf32>
          %mul3A_262 = arith.constant 2 : i32
          %mul3A_263 = arith.muli %mul3A_262, %scan3A_57 : i32
          %get3A_264 = arith.index_cast %mul3A_263 : i32 to index
          %get3A_265 = arith.constant 64 : index
          %get3A_266 = tpu.vector_load %arg7[%get3A_264, %get3A_265] {strides = array<i32>} : memref<104x256xf32, #tpu.memory_space<vmem>>, vector<16xf32>,
          %mul3A_267 = arith.mulf %get3A_266, %gather3A_102 : vector<16xf32>
          %add3A_268 = arith.addf %add3A_261, %mul3A_267 : vector<16xf32>
          %mul3A_269 = arith.constant 2 : i32
          %mul3A_270 = arith.muli %mul3A_269, %scan3A_57 : i32
          %add3A_271 = arith.constant 1 : i32
          %add3A_272 = arith.addi %mul3A_270, %add3A_271 : i32
          %get3A_273 = arith.index_cast %add3A_272 : i32 to index
          %get3A_274 = arith.constant 64 : index
          %get3A_275 = tpu.vector_load %arg7[%get3A_273, %get3A_274] {strides = array<i32>} : memref<104x256xf32, #tpu.memory_space<vmem>>, vector<16xf32>,
          %mul3A_276 = arith.mulf %get3A_275, %gather3A_107 : vector<16xf32>
          %add3A_277 = arith.addf %add3A_268, %mul3A_276 : vector<16xf32>
          %swap3A_278 = arith.index_cast %select_n3A_81 : i32 to index
          %swap3A_279 = arith.index_cast %sub3A_84 : i32 to index
          %swap3A_280 = arith.constant 64 : index
          %swap3A_281 = tpu.vector_load %arg8[%swap3A_278, %swap3A_279, %swap3A_280] {strides = array<i32>} : memref<7x7x256xf32, #tpu.memory_space<vmem>>, vector<16xf32>,
          tpu.vector_store %arg8[%swap3A_278, %swap3A_279, %swap3A_280], %add3A_277 {strides = array<i32>} : memref<7x7x256xf32, #tpu.memory_space<vmem>>, vector<16xf32>,
          %mul3A_282 = arith.constant 2 : i32
          %mul3A_283 = arith.muli %mul3A_282, %scan3A_57 : i32
          %get3A_284 = arith.index_cast %mul3A_283 : i32 to index
          %get3A_285 = arith.constant 80 : index
          %get3A_286 = tpu.vector_load %arg6[%get3A_284, %get3A_285] {strides = array<i32>} : memref<104x256xf32, #tpu.memory_space<vmem>>, vector<16xf32>,
          %mul3A_287 = arith.mulf %get3A_286, %gather3A_92 : vector<16xf32>
          %mul3A_288 = arith.constant 2 : i32
          %mul3A_289 = arith.muli %mul3A_288, %scan3A_57 : i32
          %add3A_290 = arith.constant 1 : i32
          %add3A_291 = arith.addi %mul3A_289, %add3A_290 : i32
          %get3A_292 = arith.index_cast %add3A_291 : i32 to index
          %get3A_293 = arith.constant 80 : index
          %get3A_294 = tpu.vector_load %arg6[%get3A_292, %get3A_293] {strides = array<i32>} : memref<104x256xf32, #tpu.memory_space<vmem>>, vector<16xf32>,
          %mul3A_295 = arith.mulf %get3A_294, %gather3A_97 : vector<16xf32>
          %add3A_296 = arith.addf %mul3A_287, %mul3A_295 : vector<16xf32>
          %mul3A_297 = arith.constant 2 : i32
          %mul3A_298 = arith.muli %mul3A_297, %scan3A_57 : i32
          %get3A_299 = arith.index_cast %mul3A_298 : i32 to index
          %get3A_300 = arith.constant 80 : index
          %get3A_301 = tpu.vector_load %arg7[%get3A_299, %get3A_300] {strides = array<i32>} : memref<104x256xf32, #tpu.memory_space<vmem>>, vector<16xf32>,
          %mul3A_302 = arith.mulf %get3A_301, %gather3A_102 : vector<16xf32>
          %add3A_303 = arith.addf %add3A_296, %mul3A_302 : vector<16xf32>
          %mul3A_304 = arith.constant 2 : i32
          %mul3A_305 = arith.muli %mul3A_304, %scan3A_57 : i32
          %add3A_306 = arith.constant 1 : i32
          %add3A_307 = arith.addi %mul3A_305, %add3A_306 : i32
          %get3A_308 = arith.index_cast %add3A_307 : i32 to index
          %get3A_309 = arith.constant 80 : index
          %get3A_310 = tpu.vector_load %arg7[%get3A_308, %get3A_309] {strides = array<i32>} : memref<104x256xf32, #tpu.memory_space<vmem>>, vector<16xf32>,
          %mul3A_311 = arith.mulf %get3A_310, %gather3A_107 : vector<16xf32>
          %add3A_312 = arith.addf %add3A_303, %mul3A_311 : vector<16xf32>
          %swap3A_313 = arith.index_cast %select_n3A_81 : i32 to index
          %swap3A_314 = arith.index_cast %sub3A_84 : i32 to index
          %swap3A_315 = arith.constant 80 : index
          %swap3A_316 = tpu.vector_load %arg8[%swap3A_313, %swap3A_314, %swap3A_315] {strides = array<i32>} : memref<7x7x256xf32, #tpu.memory_space<vmem>>, vector<16xf32>,
          tpu.vector_store %arg8[%swap3A_313, %swap3A_314, %swap3A_315], %add3A_312 {strides = array<i32>} : memref<7x7x256xf32, #tpu.memory_space<vmem>>, vector<16xf32>,
          %mul3A_317 = arith.constant 2 : i32
          %mul3A_318 = arith.muli %mul3A_317, %scan3A_57 : i32
          %get3A_319 = arith.index_cast %mul3A_318 : i32 to index
          %get3A_320 = arith.constant 96 : index
          %get3A_321 = tpu.vector_load %arg6[%get3A_319, %get3A_320] {strides = array<i32>} : memref<104x256xf32, #tpu.memory_space<vmem>>, vector<16xf32>,
          %mul3A_322 = arith.mulf %get3A_321, %gather3A_92 : vector<16xf32>
          %mul3A_323 = arith.constant 2 : i32
          %mul3A_324 = arith.muli %mul3A_323, %scan3A_57 : i32
          %add3A_325 = arith.constant 1 : i32
          %add3A_326 = arith.addi %mul3A_324, %add3A_325 : i32
          %get3A_327 = arith.index_cast %add3A_326 : i32 to index
          %get3A_328 = arith.constant 96 : index
          %get3A_329 = tpu.vector_load %arg6[%get3A_327, %get3A_328] {strides = array<i32>} : memref<104x256xf32, #tpu.memory_space<vmem>>, vector<16xf32>,
          %mul3A_330 = arith.mulf %get3A_329, %gather3A_97 : vector<16xf32>
          %add3A_331 = arith.addf %mul3A_322, %mul3A_330 : vector<16xf32>
          %mul3A_332 = arith.constant 2 : i32
          %mul3A_333 = arith.muli %mul3A_332, %scan3A_57 : i32
          %get3A_334 = arith.index_cast %mul3A_333 : i32 to index
          %get3A_335 = arith.constant 96 : index
          %get3A_336 = tpu.vector_load %arg7[%get3A_334, %get3A_335] {strides = array<i32>} : memref<104x256xf32, #tpu.memory_space<vmem>>, vector<16xf32>,
          %mul3A_337 = arith.mulf %get3A_336, %gather3A_102 : vector<16xf32>
          %add3A_338 = arith.addf %add3A_331, %mul3A_337 : vector<16xf32>
          %mul3A_339 = arith.constant 2 : i32
          %mul3A_340 = arith.muli %mul3A_339, %scan3A_57 : i32
          %add3A_341 = arith.constant 1 : i32
          %add3A_342 = arith.addi %mul3A_340, %add3A_341 : i32
          %get3A_343 = arith.index_cast %add3A_342 : i32 to index
          %get3A_344 = arith.constant 96 : index
          %get3A_345 = tpu.vector_load %arg7[%get3A_343, %get3A_344] {strides = array<i32>} : memref<104x256xf32, #tpu.memory_space<vmem>>, vector<16xf32>,
          %mul3A_346 = arith.mulf %get3A_345, %gather3A_107 : vector<16xf32>
          %add3A_347 = arith.addf %add3A_338, %mul3A_346 : vector<16xf32>
          %swap3A_348 = arith.index_cast %select_n3A_81 : i32 to index
          %swap3A_349 = arith.index_cast %sub3A_84 : i32 to index
          %swap3A_350 = arith.constant 96 : index
          %swap3A_351 = tpu.vector_load %arg8[%swap3A_348, %swap3A_349, %swap3A_350] {strides = array<i32>} : memref<7x7x256xf32, #tpu.memory_space<vmem>>, vector<16xf32>,
          tpu.vector_store %arg8[%swap3A_348, %swap3A_349, %swap3A_350], %add3A_347 {strides = array<i32>} : memref<7x7x256xf32, #tpu.memory_space<vmem>>, vector<16xf32>,
          %mul3A_352 = arith.constant 2 : i32
          %mul3A_353 = arith.muli %mul3A_352, %scan3A_57 : i32
          %get3A_354 = arith.index_cast %mul3A_353 : i32 to index
          %get3A_355 = arith.constant 112 : index
          %get3A_356 = tpu.vector_load %arg6[%get3A_354, %get3A_355] {strides = array<i32>} : memref<104x256xf32, #tpu.memory_space<vmem>>, vector<16xf32>,
          %mul3A_357 = arith.mulf %get3A_356, %gather3A_92 : vector<16xf32>
          %mul3A_358 = arith.constant 2 : i32
          %mul3A_359 = arith.muli %mul3A_358, %scan3A_57 : i32
          %add3A_360 = arith.constant 1 : i32
          %add3A_361 = arith.addi %mul3A_359, %add3A_360 : i32
          %get3A_362 = arith.index_cast %add3A_361 : i32 to index
          %get3A_363 = arith.constant 112 : index
          %get3A_364 = tpu.vector_load %arg6[%get3A_362, %get3A_363] {strides = array<i32>} : memref<104x256xf32, #tpu.memory_space<vmem>>, vector<16xf32>,
          %mul3A_365 = arith.mulf %get3A_364, %gather3A_97 : vector<16xf32>
          %add3A_366 = arith.addf %mul3A_357, %mul3A_365 : vector<16xf32>
          %mul3A_367 = arith.constant 2 : i32
          %mul3A_368 = arith.muli %mul3A_367, %scan3A_57 : i32
          %get3A_369 = arith.index_cast %mul3A_368 : i32 to index
          %get3A_370 = arith.constant 112 : index
          %get3A_371 = tpu.vector_load %arg7[%get3A_369, %get3A_370] {strides = array<i32>} : memref<104x256xf32, #tpu.memory_space<vmem>>, vector<16xf32>,
          %mul3A_372 = arith.mulf %get3A_371, %gather3A_102 : vector<16xf32>
          %add3A_373 = arith.addf %add3A_366, %mul3A_372 : vector<16xf32>
          %mul3A_374 = arith.constant 2 : i32
          %mul3A_375 = arith.muli %mul3A_374, %scan3A_57 : i32
          %add3A_376 = arith.constant 1 : i32
          %add3A_377 = arith.addi %mul3A_375, %add3A_376 : i32
          %get3A_378 = arith.index_cast %add3A_377 : i32 to index
          %get3A_379 = arith.constant 112 : index
          %get3A_380 = tpu.vector_load %arg7[%get3A_378, %get3A_379] {strides = array<i32>} : memref<104x256xf32, #tpu.memory_space<vmem>>, vector<16xf32>,
          %mul3A_381 = arith.mulf %get3A_380, %gather3A_107 : vector<16xf32>
          %add3A_382 = arith.addf %add3A_373, %mul3A_381 : vector<16xf32>
          %swap3A_383 = arith.index_cast %select_n3A_81 : i32 to index
          %swap3A_384 = arith.index_cast %sub3A_84 : i32 to index
          %swap3A_385 = arith.constant 112 : index
          %swap3A_386 = tpu.vector_load %arg8[%swap3A_383, %swap3A_384, %swap3A_385] {strides = array<i32>} : memref<7x7x256xf32, #tpu.memory_space<vmem>>, vector<16xf32>,
          tpu.vector_store %arg8[%swap3A_383, %swap3A_384, %swap3A_385], %add3A_382 {strides = array<i32>} : memref<7x7x256xf32, #tpu.memory_space<vmem>>, vector<16xf32>,
          %mul3A_387 = arith.constant 2 : i32
          %mul3A_388 = arith.muli %mul3A_387, %scan3A_57 : i32
          %get3A_389 = arith.index_cast %mul3A_388 : i32 to index
          %get3A_390 = arith.constant 128 : index
          %get3A_391 = tpu.vector_load %arg6[%get3A_389, %get3A_390] {strides = array<i32>} : memref<104x256xf32, #tpu.memory_space<vmem>>, vector<16xf32>,
          %mul3A_392 = arith.mulf %get3A_391, %gather3A_92 : vector<16xf32>
          %mul3A_393 = arith.constant 2 : i32
          %mul3A_394 = arith.muli %mul3A_393, %scan3A_57 : i32
          %add3A_395 = arith.constant 1 : i32
          %add3A_396 = arith.addi %mul3A_394, %add3A_395 : i32
          %get3A_397 = arith.index_cast %add3A_396 : i32 to index
          %get3A_398 = arith.constant 128 : index
          %get3A_399 = tpu.vector_load %arg6[%get3A_397, %get3A_398] {strides = array<i32>} : memref<104x256xf32, #tpu.memory_space<vmem>>, vector<16xf32>,
          %mul3A_400 = arith.mulf %get3A_399, %gather3A_97 : vector<16xf32>
          %add3A_401 = arith.addf %mul3A_392, %mul3A_400 : vector<16xf32>
          %mul3A_402 = arith.constant 2 : i32
          %mul3A_403 = arith.muli %mul3A_402, %scan3A_57 : i32
          %get3A_404 = arith.index_cast %mul3A_403 : i32 to index
          %get3A_405 = arith.constant 128 : index
          %get3A_406 = tpu.vector_load %arg7[%get3A_404, %get3A_405] {strides = array<i32>} : memref<104x256xf32, #tpu.memory_space<vmem>>, vector<16xf32>,
          %mul3A_407 = arith.mulf %get3A_406, %gather3A_102 : vector<16xf32>
          %add3A_408 = arith.addf %add3A_401, %mul3A_407 : vector<16xf32>
          %mul3A_409 = arith.constant 2 : i32
          %mul3A_410 = arith.muli %mul3A_409, %scan3A_57 : i32
          %add3A_411 = arith.constant 1 : i32
          %add3A_412 = arith.addi %mul3A_410, %add3A_411 : i32
          %get3A_413 = arith.index_cast %add3A_412 : i32 to index
          %get3A_414 = arith.constant 128 : index
          %get3A_415 = tpu.vector_load %arg7[%get3A_413, %get3A_414] {strides = array<i32>} : memref<104x256xf32, #tpu.memory_space<vmem>>, vector<16xf32>,
          %mul3A_416 = arith.mulf %get3A_415, %gather3A_107 : vector<16xf32>
          %add3A_417 = arith.addf %add3A_408, %mul3A_416 : vector<16xf32>
          %swap3A_418 = arith.index_cast %select_n3A_81 : i32 to index
          %swap3A_419 = arith.index_cast %sub3A_84 : i32 to index
          %swap3A_420 = arith.constant 128 : index
          %swap3A_421 = tpu.vector_load %arg8[%swap3A_418, %swap3A_419, %swap3A_420] {strides = array<i32>} : memref<7x7x256xf32, #tpu.memory_space<vmem>>, vector<16xf32>,
          tpu.vector_store %arg8[%swap3A_418, %swap3A_419, %swap3A_420], %add3A_417 {strides = array<i32>} : memref<7x7x256xf32, #tpu.memory_space<vmem>>, vector<16xf32>,
          %mul3A_422 = arith.constant 2 : i32
          %mul3A_423 = arith.muli %mul3A_422, %scan3A_57 : i32
          %get3A_424 = arith.index_cast %mul3A_423 : i32 to index
          %get3A_425 = arith.constant 144 : index
          %get3A_426 = tpu.vector_load %arg6[%get3A_424, %get3A_425] {strides = array<i32>} : memref<104x256xf32, #tpu.memory_space<vmem>>, vector<16xf32>,
          %mul3A_427 = arith.mulf %get3A_426, %gather3A_92 : vector<16xf32>
          %mul3A_428 = arith.constant 2 : i32
          %mul3A_429 = arith.muli %mul3A_428, %scan3A_57 : i32
          %add3A_430 = arith.constant 1 : i32
          %add3A_431 = arith.addi %mul3A_429, %add3A_430 : i32
          %get3A_432 = arith.index_cast %add3A_431 : i32 to index
          %get3A_433 = arith.constant 144 : index
          %get3A_434 = tpu.vector_load %arg6[%get3A_432, %get3A_433] {strides = array<i32>} : memref<104x256xf32, #tpu.memory_space<vmem>>, vector<16xf32>,
          %mul3A_435 = arith.mulf %get3A_434, %gather3A_97 : vector<16xf32>
          %add3A_436 = arith.addf %mul3A_427, %mul3A_435 : vector<16xf32>
          %mul3A_437 = arith.constant 2 : i32
          %mul3A_438 = arith.muli %mul3A_437, %scan3A_57 : i32
          %get3A_439 = arith.index_cast %mul3A_438 : i32 to index
          %get3A_440 = arith.constant 144 : index
          %get3A_441 = tpu.vector_load %arg7[%get3A_439, %get3A_440] {strides = array<i32>} : memref<104x256xf32, #tpu.memory_space<vmem>>, vector<16xf32>,
          %mul3A_442 = arith.mulf %get3A_441, %gather3A_102 : vector<16xf32>
          %add3A_443 = arith.addf %add3A_436, %mul3A_442 : vector<16xf32>
          %mul3A_444 = arith.constant 2 : i32
          %mul3A_445 = arith.muli %mul3A_444, %scan3A_57 : i32
          %add3A_446 = arith.constant 1 : i32
          %add3A_447 = arith.addi %mul3A_445, %add3A_446 : i32
          %get3A_448 = arith.index_cast %add3A_447 : i32 to index
          %get3A_449 = arith.constant 144 : index
          %get3A_450 = tpu.vector_load %arg7[%get3A_448, %get3A_449] {strides = array<i32>} : memref<104x256xf32, #tpu.memory_space<vmem>>, vector<16xf32>,
          %mul3A_451 = arith.mulf %get3A_450, %gather3A_107 : vector<16xf32>
          %add3A_452 = arith.addf %add3A_443, %mul3A_451 : vector<16xf32>
          %swap3A_453 = arith.index_cast %select_n3A_81 : i32 to index
          %swap3A_454 = arith.index_cast %sub3A_84 : i32 to index
          %swap3A_455 = arith.constant 144 : index
          %swap3A_456 = tpu.vector_load %arg8[%swap3A_453, %swap3A_454, %swap3A_455] {strides = array<i32>} : memref<7x7x256xf32, #tpu.memory_space<vmem>>, vector<16xf32>,
          tpu.vector_store %arg8[%swap3A_453, %swap3A_454, %swap3A_455], %add3A_452 {strides = array<i32>} : memref<7x7x256xf32, #tpu.memory_space<vmem>>, vector<16xf32>,
          %mul3A_457 = arith.constant 2 : i32
          %mul3A_458 = arith.muli %mul3A_457, %scan3A_57 : i32
          %get3A_459 = arith.index_cast %mul3A_458 : i32 to index
          %get3A_460 = arith.constant 160 : index
          %get3A_461 = tpu.vector_load %arg6[%get3A_459, %get3A_460] {strides = array<i32>} : memref<104x256xf32, #tpu.memory_space<vmem>>, vector<16xf32>,
          %mul3A_462 = arith.mulf %get3A_461, %gather3A_92 : vector<16xf32>
          %mul3A_463 = arith.constant 2 : i32
          %mul3A_464 = arith.muli %mul3A_463, %scan3A_57 : i32
          %add3A_465 = arith.constant 1 : i32
          %add3A_466 = arith.addi %mul3A_464, %add3A_465 : i32
          %get3A_467 = arith.index_cast %add3A_466 : i32 to index
          %get3A_468 = arith.constant 160 : index
          %get3A_469 = tpu.vector_load %arg6[%get3A_467, %get3A_468] {strides = array<i32>} : memref<104x256xf32, #tpu.memory_space<vmem>>, vector<16xf32>,
          %mul3A_470 = arith.mulf %get3A_469, %gather3A_97 : vector<16xf32>
          %add3A_471 = arith.addf %mul3A_462, %mul3A_470 : vector<16xf32>
          %mul3A_472 = arith.constant 2 : i32
          %mul3A_473 = arith.muli %mul3A_472, %scan3A_57 : i32
          %get3A_474 = arith.index_cast %mul3A_473 : i32 to index
          %get3A_475 = arith.constant 160 : index
          %get3A_476 = tpu.vector_load %arg7[%get3A_474, %get3A_475] {strides = array<i32>} : memref<104x256xf32, #tpu.memory_space<vmem>>, vector<16xf32>,
          %mul3A_477 = arith.mulf %get3A_476, %gather3A_102 : vector<16xf32>
          %add3A_478 = arith.addf %add3A_471, %mul3A_477 : vector<16xf32>
          %mul3A_479 = arith.constant 2 : i32
          %mul3A_480 = arith.muli %mul3A_479, %scan3A_57 : i32
          %add3A_481 = arith.constant 1 : i32
          %add3A_482 = arith.addi %mul3A_480, %add3A_481 : i32
          %get3A_483 = arith.index_cast %add3A_482 : i32 to index
          %get3A_484 = arith.constant 160 : index
          %get3A_485 = tpu.vector_load %arg7[%get3A_483, %get3A_484] {strides = array<i32>} : memref<104x256xf32, #tpu.memory_space<vmem>>, vector<16xf32>,
          %mul3A_486 = arith.mulf %get3A_485, %gather3A_107 : vector<16xf32>
          %add3A_487 = arith.addf %add3A_478, %mul3A_486 : vector<16xf32>
          %swap3A_488 = arith.index_cast %select_n3A_81 : i32 to index
          %swap3A_489 = arith.index_cast %sub3A_84 : i32 to index
          %swap3A_490 = arith.constant 160 : index
          %swap3A_491 = tpu.vector_load %arg8[%swap3A_488, %swap3A_489, %swap3A_490] {strides = array<i32>} : memref<7x7x256xf32, #tpu.memory_space<vmem>>, vector<16xf32>,
          tpu.vector_store %arg8[%swap3A_488, %swap3A_489, %swap3A_490], %add3A_487 {strides = array<i32>} : memref<7x7x256xf32, #tpu.memory_space<vmem>>, vector<16xf32>,
          %mul3A_492 = arith.constant 2 : i32
          %mul3A_493 = arith.muli %mul3A_492, %scan3A_57 : i32
          %get3A_494 = arith.index_cast %mul3A_493 : i32 to index
          %get3A_495 = arith.constant 176 : index
          %get3A_496 = tpu.vector_load %arg6[%get3A_494, %get3A_495] {strides = array<i32>} : memref<104x256xf32, #tpu.memory_space<vmem>>, vector<16xf32>,
          %mul3A_497 = arith.mulf %get3A_496, %gather3A_92 : vector<16xf32>
          %mul3A_498 = arith.constant 2 : i32
          %mul3A_499 = arith.muli %mul3A_498, %scan3A_57 : i32
          %add3A_500 = arith.constant 1 : i32
          %add3A_501 = arith.addi %mul3A_499, %add3A_500 : i32
          %get3A_502 = arith.index_cast %add3A_501 : i32 to index
          %get3A_503 = arith.constant 176 : index
          %get3A_504 = tpu.vector_load %arg6[%get3A_502, %get3A_503] {strides = array<i32>} : memref<104x256xf32, #tpu.memory_space<vmem>>, vector<16xf32>,
          %mul3A_505 = arith.mulf %get3A_504, %gather3A_97 : vector<16xf32>
          %add3A_506 = arith.addf %mul3A_497, %mul3A_505 : vector<16xf32>
          %mul3A_507 = arith.constant 2 : i32
          %mul3A_508 = arith.muli %mul3A_507, %scan3A_57 : i32
          %get3A_509 = arith.index_cast %mul3A_508 : i32 to index
          %get3A_510 = arith.constant 176 : index
          %get3A_511 = tpu.vector_load %arg7[%get3A_509, %get3A_510] {strides = array<i32>} : memref<104x256xf32, #tpu.memory_space<vmem>>, vector<16xf32>,
          %mul3A_512 = arith.mulf %get3A_511, %gather3A_102 : vector<16xf32>
          %add3A_513 = arith.addf %add3A_506, %mul3A_512 : vector<16xf32>
          %mul3A_514 = arith.constant 2 : i32
          %mul3A_515 = arith.muli %mul3A_514, %scan3A_57 : i32
          %add3A_516 = arith.constant 1 : i32
          %add3A_517 = arith.addi %mul3A_515, %add3A_516 : i32
          %get3A_518 = arith.index_cast %add3A_517 : i32 to index
          %get3A_519 = arith.constant 176 : index
          %get3A_520 = tpu.vector_load %arg7[%get3A_518, %get3A_519] {strides = array<i32>} : memref<104x256xf32, #tpu.memory_space<vmem>>, vector<16xf32>,
          %mul3A_521 = arith.mulf %get3A_520, %gather3A_107 : vector<16xf32>
          %add3A_522 = arith.addf %add3A_513, %mul3A_521 : vector<16xf32>
          %swap3A_523 = arith.index_cast %select_n3A_81 : i32 to index
          %swap3A_524 = arith.index_cast %sub3A_84 : i32 to index
          %swap3A_525 = arith.constant 176 : index
          %swap3A_526 = tpu.vector_load %arg8[%swap3A_523, %swap3A_524, %swap3A_525] {strides = array<i32>} : memref<7x7x256xf32, #tpu.memory_space<vmem>>, vector<16xf32>,
          tpu.vector_store %arg8[%swap3A_523, %swap3A_524, %swap3A_525], %add3A_522 {strides = array<i32>} : memref<7x7x256xf32, #tpu.memory_space<vmem>>, vector<16xf32>,
          %mul3A_527 = arith.constant 2 : i32
          %mul3A_528 = arith.muli %mul3A_527, %scan3A_57 : i32
          %get3A_529 = arith.index_cast %mul3A_528 : i32 to index
          %get3A_530 = arith.constant 192 : index
          %get3A_531 = tpu.vector_load %arg6[%get3A_529, %get3A_530] {strides = array<i32>} : memref<104x256xf32, #tpu.memory_space<vmem>>, vector<16xf32>,
          %mul3A_532 = arith.mulf %get3A_531, %gather3A_92 : vector<16xf32>
          %mul3A_533 = arith.constant 2 : i32
          %mul3A_534 = arith.muli %mul3A_533, %scan3A_57 : i32
          %add3A_535 = arith.constant 1 : i32
          %add3A_536 = arith.addi %mul3A_534, %add3A_535 : i32
          %get3A_537 = arith.index_cast %add3A_536 : i32 to index
          %get3A_538 = arith.constant 192 : index
          %get3A_539 = tpu.vector_load %arg6[%get3A_537, %get3A_538] {strides = array<i32>} : memref<104x256xf32, #tpu.memory_space<vmem>>, vector<16xf32>,
          %mul3A_540 = arith.mulf %get3A_539, %gather3A_97 : vector<16xf32>
          %add3A_541 = arith.addf %mul3A_532, %mul3A_540 : vector<16xf32>
          %mul3A_542 = arith.constant 2 : i32
          %mul3A_543 = arith.muli %mul3A_542, %scan3A_57 : i32
          %get3A_544 = arith.index_cast %mul3A_543 : i32 to index
          %get3A_545 = arith.constant 192 : index
          %get3A_546 = tpu.vector_load %arg7[%get3A_544, %get3A_545] {strides = array<i32>} : memref<104x256xf32, #tpu.memory_space<vmem>>, vector<16xf32>,
          %mul3A_547 = arith.mulf %get3A_546, %gather3A_102 : vector<16xf32>
          %add3A_548 = arith.addf %add3A_541, %mul3A_547 : vector<16xf32>
          %mul3A_549 = arith.constant 2 : i32
          %mul3A_550 = arith.muli %mul3A_549, %scan3A_57 : i32
          %add3A_551 = arith.constant 1 : i32
          %add3A_552 = arith.addi %mul3A_550, %add3A_551 : i32
          %get3A_553 = arith.index_cast %add3A_552 : i32 to index
          %get3A_554 = arith.constant 192 : index
          %get3A_555 = tpu.vector_load %arg7[%get3A_553, %get3A_554] {strides = array<i32>} : memref<104x256xf32, #tpu.memory_space<vmem>>, vector<16xf32>,
          %mul3A_556 = arith.mulf %get3A_555, %gather3A_107 : vector<16xf32>
          %add3A_557 = arith.addf %add3A_548, %mul3A_556 : vector<16xf32>
          %swap3A_558 = arith.index_cast %select_n3A_81 : i32 to index
          %swap3A_559 = arith.index_cast %sub3A_84 : i32 to index
          %swap3A_560 = arith.constant 192 : index
          %swap3A_561 = tpu.vector_load %arg8[%swap3A_558, %swap3A_559, %swap3A_560] {strides = array<i32>} : memref<7x7x256xf32, #tpu.memory_space<vmem>>, vector<16xf32>,
          tpu.vector_store %arg8[%swap3A_558, %swap3A_559, %swap3A_560], %add3A_557 {strides = array<i32>} : memref<7x7x256xf32, #tpu.memory_space<vmem>>, vector<16xf32>,
          %mul3A_562 = arith.constant 2 : i32
          %mul3A_563 = arith.muli %mul3A_562, %scan3A_57 : i32
          %get3A_564 = arith.index_cast %mul3A_563 : i32 to index
          %get3A_565 = arith.constant 208 : index
          %get3A_566 = tpu.vector_load %arg6[%get3A_564, %get3A_565] {strides = array<i32>} : memref<104x256xf32, #tpu.memory_space<vmem>>, vector<16xf32>,
          %mul3A_567 = arith.mulf %get3A_566, %gather3A_92 : vector<16xf32>
          %mul3A_568 = arith.constant 2 : i32
          %mul3A_569 = arith.muli %mul3A_568, %scan3A_57 : i32
          %add3A_570 = arith.constant 1 : i32
          %add3A_571 = arith.addi %mul3A_569, %add3A_570 : i32
          %get3A_572 = arith.index_cast %add3A_571 : i32 to index
          %get3A_573 = arith.constant 208 : index
          %get3A_574 = tpu.vector_load %arg6[%get3A_572, %get3A_573] {strides = array<i32>} : memref<104x256xf32, #tpu.memory_space<vmem>>, vector<16xf32>,
          %mul3A_575 = arith.mulf %get3A_574, %gather3A_97 : vector<16xf32>
          %add3A_576 = arith.addf %mul3A_567, %mul3A_575 : vector<16xf32>
          %mul3A_577 = arith.constant 2 : i32
          %mul3A_578 = arith.muli %mul3A_577, %scan3A_57 : i32
          %get3A_579 = arith.index_cast %mul3A_578 : i32 to index
          %get3A_580 = arith.constant 208 : index
          %get3A_581 = tpu.vector_load %arg7[%get3A_579, %get3A_580] {strides = array<i32>} : memref<104x256xf32, #tpu.memory_space<vmem>>, vector<16xf32>,
          %mul3A_582 = arith.mulf %get3A_581, %gather3A_102 : vector<16xf32>
          %add3A_583 = arith.addf %add3A_576, %mul3A_582 : vector<16xf32>
          %mul3A_584 = arith.constant 2 : i32
          %mul3A_585 = arith.muli %mul3A_584, %scan3A_57 : i32
          %add3A_586 = arith.constant 1 : i32
          %add3A_587 = arith.addi %mul3A_585, %add3A_586 : i32
          %get3A_588 = arith.index_cast %add3A_587 : i32 to index
          %get3A_589 = arith.constant 208 : index
          %get3A_590 = tpu.vector_load %arg7[%get3A_588, %get3A_589] {strides = array<i32>} : memref<104x256xf32, #tpu.memory_space<vmem>>, vector<16xf32>,
          %mul3A_591 = arith.mulf %get3A_590, %gather3A_107 : vector<16xf32>
          %add3A_592 = arith.addf %add3A_583, %mul3A_591 : vector<16xf32>
          %swap3A_593 = arith.index_cast %select_n3A_81 : i32 to index
          %swap3A_594 = arith.index_cast %sub3A_84 : i32 to index
          %swap3A_595 = arith.constant 208 : index
          %swap3A_596 = tpu.vector_load %arg8[%swap3A_593, %swap3A_594, %swap3A_595] {strides = array<i32>} : memref<7x7x256xf32, #tpu.memory_space<vmem>>, vector<16xf32>,
          tpu.vector_store %arg8[%swap3A_593, %swap3A_594, %swap3A_595], %add3A_592 {strides = array<i32>} : memref<7x7x256xf32, #tpu.memory_space<vmem>>, vector<16xf32>,
          %mul3A_597 = arith.constant 2 : i32
          %mul3A_598 = arith.muli %mul3A_597, %scan3A_57 : i32
          %get3A_599 = arith.index_cast %mul3A_598 : i32 to index
          %get3A_600 = arith.constant 224 : index
          %get3A_601 = tpu.vector_load %arg6[%get3A_599, %get3A_600] {strides = array<i32>} : memref<104x256xf32, #tpu.memory_space<vmem>>, vector<16xf32>,
          %mul3A_602 = arith.mulf %get3A_601, %gather3A_92 : vector<16xf32>
          %mul3A_603 = arith.constant 2 : i32
          %mul3A_604 = arith.muli %mul3A_603, %scan3A_57 : i32
          %add3A_605 = arith.constant 1 : i32
          %add3A_606 = arith.addi %mul3A_604, %add3A_605 : i32
          %get3A_607 = arith.index_cast %add3A_606 : i32 to index
          %get3A_608 = arith.constant 224 : index
          %get3A_609 = tpu.vector_load %arg6[%get3A_607, %get3A_608] {strides = array<i32>} : memref<104x256xf32, #tpu.memory_space<vmem>>, vector<16xf32>,
          %mul3A_610 = arith.mulf %get3A_609, %gather3A_97 : vector<16xf32>
          %add3A_611 = arith.addf %mul3A_602, %mul3A_610 : vector<16xf32>
          %mul3A_612 = arith.constant 2 : i32
          %mul3A_613 = arith.muli %mul3A_612, %scan3A_57 : i32
          %get3A_614 = arith.index_cast %mul3A_613 : i32 to index
          %get3A_615 = arith.constant 224 : index
          %get3A_616 = tpu.vector_load %arg7[%get3A_614, %get3A_615] {strides = array<i32>} : memref<104x256xf32, #tpu.memory_space<vmem>>, vector<16xf32>,
          %mul3A_617 = arith.mulf %get3A_616, %gather3A_102 : vector<16xf32>
          %add3A_618 = arith.addf %add3A_611, %mul3A_617 : vector<16xf32>
          %mul3A_619 = arith.constant 2 : i32
          %mul3A_620 = arith.muli %mul3A_619, %scan3A_57 : i32
          %add3A_621 = arith.constant 1 : i32
          %add3A_622 = arith.addi %mul3A_620, %add3A_621 : i32
          %get3A_623 = arith.index_cast %add3A_622 : i32 to index
          %get3A_624 = arith.constant 224 : index
          %get3A_625 = tpu.vector_load %arg7[%get3A_623, %get3A_624] {strides = array<i32>} : memref<104x256xf32, #tpu.memory_space<vmem>>, vector<16xf32>,
          %mul3A_626 = arith.mulf %get3A_625, %gather3A_107 : vector<16xf32>
          %add3A_627 = arith.addf %add3A_618, %mul3A_626 : vector<16xf32>
          %swap3A_628 = arith.index_cast %select_n3A_81 : i32 to index
          %swap3A_629 = arith.index_cast %sub3A_84 : i32 to index
          %swap3A_630 = arith.constant 224 : index
          %swap3A_631 = tpu.vector_load %arg8[%swap3A_628, %swap3A_629, %swap3A_630] {strides = array<i32>} : memref<7x7x256xf32, #tpu.memory_space<vmem>>, vector<16xf32>,
          tpu.vector_store %arg8[%swap3A_628, %swap3A_629, %swap3A_630], %add3A_627 {strides = array<i32>} : memref<7x7x256xf32, #tpu.memory_space<vmem>>, vector<16xf32>,
          %mul3A_632 = arith.constant 2 : i32
          %mul3A_633 = arith.muli %mul3A_632, %scan3A_57 : i32
          %get3A_634 = arith.index_cast %mul3A_633 : i32 to index
          %get3A_635 = arith.constant 240 : index
          %get3A_636 = tpu.vector_load %arg6[%get3A_634, %get3A_635] {strides = array<i32>} : memref<104x256xf32, #tpu.memory_space<vmem>>, vector<16xf32>,
          %mul3A_637 = arith.mulf %get3A_636, %gather3A_92 : vector<16xf32>
          %mul3A_638 = arith.constant 2 : i32
          %mul3A_639 = arith.muli %mul3A_638, %scan3A_57 : i32
          %add3A_640 = arith.constant 1 : i32
          %add3A_641 = arith.addi %mul3A_639, %add3A_640 : i32
          %get3A_642 = arith.index_cast %add3A_641 : i32 to index
          %get3A_643 = arith.constant 240 : index
          %get3A_644 = tpu.vector_load %arg6[%get3A_642, %get3A_643] {strides = array<i32>} : memref<104x256xf32, #tpu.memory_space<vmem>>, vector<16xf32>,
          %mul3A_645 = arith.mulf %get3A_644, %gather3A_97 : vector<16xf32>
          %add3A_646 = arith.addf %mul3A_637, %mul3A_645 : vector<16xf32>
          %mul3A_647 = arith.constant 2 : i32
          %mul3A_648 = arith.muli %mul3A_647, %scan3A_57 : i32
          %get3A_649 = arith.index_cast %mul3A_648 : i32 to index
          %get3A_650 = arith.constant 240 : index
          %get3A_651 = tpu.vector_load %arg7[%get3A_649, %get3A_650] {strides = array<i32>} : memref<104x256xf32, #tpu.memory_space<vmem>>, vector<16xf32>,
          %mul3A_652 = arith.mulf %get3A_651, %gather3A_102 : vector<16xf32>
          %add3A_653 = arith.addf %add3A_646, %mul3A_652 : vector<16xf32>
          %mul3A_654 = arith.constant 2 : i32
          %mul3A_655 = arith.muli %mul3A_654, %scan3A_57 : i32
          %add3A_656 = arith.constant 1 : i32
          %add3A_657 = arith.addi %mul3A_655, %add3A_656 : i32
          %get3A_658 = arith.index_cast %add3A_657 : i32 to index
          %get3A_659 = arith.constant 240 : index
          %get3A_660 = tpu.vector_load %arg7[%get3A_658, %get3A_659] {strides = array<i32>} : memref<104x256xf32, #tpu.memory_space<vmem>>, vector<16xf32>,
          %mul3A_661 = arith.mulf %get3A_660, %gather3A_107 : vector<16xf32>
          %add3A_662 = arith.addf %add3A_653, %mul3A_661 : vector<16xf32>
          %swap3A_663 = arith.index_cast %select_n3A_81 : i32 to index
          %swap3A_664 = arith.index_cast %sub3A_84 : i32 to index
          %swap3A_665 = arith.constant 240 : index
          %swap3A_666 = tpu.vector_load %arg8[%swap3A_663, %swap3A_664, %swap3A_665] {strides = array<i32>} : memref<7x7x256xf32, #tpu.memory_space<vmem>>, vector<16xf32>,
          tpu.vector_store %arg8[%swap3A_663, %swap3A_664, %swap3A_665], %add3A_662 {strides = array<i32>} : memref<7x7x256xf32, #tpu.memory_space<vmem>>, vector<16xf32>,
        }
        %scan3A_37 = arith.constant 49 : i32
        %jit3A = arith.constant 1000 : i32
        %div3A = arith.divsi %add3A_9, %jit3A : i32
        %sign3A = arith.constant 0 : i32
        %sign3A_38 = arith.cmpi sgt, %add3A_9, %sign3A : i32
        %sign3A_39 = arith.extui %sign3A_38 : i1 to i32
        %sign3A_40 = arith.constant 0 : i32
        %sign3A_41 = arith.cmpi slt, %add3A_9, %sign3A_40 : i32
        %sign3A_42 = arith.extui %sign3A_41 : i1 to i32
        %sign3A_43 = arith.subi %sign3A_39, %sign3A_42 : i32
        %sign3A_44 = arith.constant 0 : i32
        %sign3A_45 = arith.cmpi sgt, %jit3A, %sign3A_44 : i32
        %sign3A_46 = arith.extui %sign3A_45 : i1 to i32
        %sign3A_47 = arith.constant 0 : i32
        %sign3A_48 = arith.cmpi slt, %jit3A, %sign3A_47 : i32
        %sign3A_49 = arith.extui %sign3A_48 : i1 to i32
        %sign3A_50 = arith.subi %sign3A_46, %sign3A_49 : i32
        %ne3A = arith.cmpi ne, %sign3A_43, %sign3A_50 : i32
        %rem3A = arith.remsi %add3A_9, %jit3A : i32
        %ne3A_51 = arith.constant 0 : i32
        %ne3A_52 = arith.cmpi ne, %rem3A, %ne3A_51 : i32
        %and3A = arith.andi %ne3A, %ne3A_52 : i1
        %sub3A = arith.constant 1 : i32
        %sub3A_53 = arith.subi %div3A, %sub3A : i32
        %select_n3A = arith.select %and3A, %sub3A_53, %div3A : i32
        %mul3A_54 = arith.constant 1000 : i32
        %mul3A_55 = arith.muli %select_n3A, %mul3A_54 : i32
        %sub3A_56 = arith.subi %add3A_9, %mul3A_55 : i32
        "tpu.region"() ({
          %run_scoped3A = tpu.sem_alloc : memref<!tpu.dma_semaphore, #tpu.memory_space<semaphore_mem>>
          %dma_start3A_57 = arith.constant 0 : i32
          %dma_start3A_58 = arith.constant 0 : i32
          %dma_start3A_59 = arith.constant 0 : i32
          %dma_start3A_60 = tpu.memref_slice %arg4[%select_n3A, %sub3A_56, %dma_start3A_57, %dma_start3A_58, %dma_start3A_59] : memref<2x1000x7x7x256xf32, #tpu.memory_space<hbm>> -> memref<1x1x7x7x256xf32, #tpu.memory_space<hbm>>
          %dma_start3A_61 = tpu.memref_squeeze %dma_start3A_60 : memref<1x1x7x7x256xf32, #tpu.memory_space<hbm>> -> memref<7x7x256xf32, #tpu.memory_space<hbm>>
          %dma_start3A_62 = arith.constant 0 : i32
          %dma_start3A_63 = arith.constant 0 : i32
          %dma_start3A_64 = arith.constant 0 : i32
          %dma_start3A_65 = tpu.memref_slice %arg4[%select_n3A, %sub3A_56, %dma_start3A_62, %dma_start3A_63, %dma_start3A_64] : memref<2x1000x7x7x256xf32, #tpu.memory_space<hbm>> -> memref<1x1x7x7x256xf32, #tpu.memory_space<hbm>>
          %dma_start3A_66 = tpu.memref_squeeze %dma_start3A_65 : memref<1x1x7x7x256xf32, #tpu.memory_space<hbm>> -> memref<7x7x256xf32, #tpu.memory_space<hbm>>
          tpu.enqueue_dma source(%arg8 : memref<7x7x256xf32, #tpu.memory_space<vmem>>) target(%dma_start3A_66 : memref<7x7x256xf32, #tpu.memory_space<hbm>>) target_semaphore(%run_scoped3A : memref<!tpu.dma_semaphore, #tpu.memory_space<semaphore_mem>>)
          %dma_wait3A_67 = arith.constant 0 : i32
          %dma_wait3A_68 = arith.constant 0 : i32
          %dma_wait3A_69 = arith.constant 0 : i32
          %dma_wait3A_70 = tpu.memref_slice %arg4[%select_n3A, %sub3A_56, %dma_wait3A_67, %dma_wait3A_68, %dma_wait3A_69] : memref<2x1000x7x7x256xf32, #tpu.memory_space<hbm>> -> memref<1x1x7x7x256xf32, #tpu.memory_space<hbm>>
          %dma_wait3A_71 = tpu.memref_squeeze %dma_wait3A_70 : memref<1x1x7x7x256xf32, #tpu.memory_space<hbm>> -> memref<7x7x256xf32, #tpu.memory_space<hbm>>
          %dma_wait3A_72 = arith.constant 0 : i32
          %dma_wait3A_73 = arith.constant 0 : i32
          %dma_wait3A_74 = arith.constant 0 : i32
          %dma_wait3A_75 = tpu.memref_slice %arg4[%select_n3A, %sub3A_56, %dma_wait3A_72, %dma_wait3A_73, %dma_wait3A_74] : memref<2x1000x7x7x256xf32, #tpu.memory_space<hbm>> -> memref<1x1x7x7x256xf32, #tpu.memory_space<hbm>>
          %dma_wait3A_76 = tpu.memref_squeeze %dma_wait3A_75 : memref<1x1x7x7x256xf32, #tpu.memory_space<hbm>> -> memref<7x7x256xf32, #tpu.memory_space<hbm>>
          tpu.wait_dma2 semaphore(%run_scoped3A : memref<!tpu.dma_semaphore, #tpu.memory_space<semaphore_mem>>) src(%arg8 : memref<7x7x256xf32, #tpu.memory_space<vmem>>) dst(%dma_wait3A_76 : memref<7x7x256xf32, #tpu.memory_space<hbm>>)
          tpu.yield
        }) : () -> ()
      } else {
      }
    }
    %scan3A_5 = arith.constant 63 : i32
    return
  }
}

</mosaic_0001>

<sc_bundles>
// kernel: kernel.3.cloned.1.call-start
scs
__scs_entry_jumppad:
0x0: {  	(pc) =	sbr.rel $0x88, $3  }
0x1: {  	(tag) =	ssettag $0x0;
	lr =	simm.s32 $0x1  }
0x2: {  	[smem:$0x3F9C] =	sst lr;
	_ =	strace $0xD0000000  }
0x3: {  	_ = 	snop  }
0x4: {  	_ = 	snop  }
0x5: {  	_ = 	snop  }
0x6: {  	_ = 	snop  }
0x7: {  	_ = 	snop  }
__scs_overlays_trampoline_lowered:
0x8: {  	[smem:$0x3FAB] =	sst s0  }
0x9: {  	[smem:$0x3FAC] =	sst s1  }
0xa: {  	[smem:$0x3FAD] =	sst s2  }
0xb: {  	[smem:$0x3FAE] =	sst s3  }
0xc: {  	[smem:$0x3FAF] =	sst s4  }
0xd: {  	[smem:$0x3FB0] =	sst s5  }
0xe: {  	[smem:$0x3FB1] =	sst s6  }
0xf: {  	[smem:$0x3FB2] =	sst s7  }
0x10: {  	[smem:$0x3FB3] =	sst s8  }
0x11: {  	[smem:$0x3FB4] =	sst s9;
	s0 =	simm.s32 @!p0 $0x0  }
0x12: {  	s1 =	sld [smem:$0x3F9A];
	s0 =	simm.s32 @p0 $0x1  }
0x13: {  	[smem:$0x3FB5] =	sst s0;
	s0 =	simm.s32 @!p1 $0x0  }
0x14: {  	s2 =	sld [smem:$0x3F99];
	s0 =	simm.s32 @p1 $0x1  }
0x15: {  	[smem:$0x3FB6] =	sst s0;
	s0 =	simm.s32 @!p2 $0x0  }
0x16: {  	s3 =	sld [smem:$0x3FDB];
	s0 =	simm.s32 @p2 $0x1  }
0x17: {  	s4 =	simm.s32 $0x1BF5;
	[smem:$0x3FB8] =	sst s0  }
0x18: {  	s0 =	sld [smem:$0x3F9B];
	_ =	swait.ge [sflag:s4], $0x0  }
0x19: {  	s7 =	sld [smem:$0x3F9C]  }
0x1a: {  	s8 =	sadd.s32 $0xFFFFE003, lr  }
0x1b: {  	s9 =	sadd.s32 $0xFFFFFEF7, lr;
	s5 =	simm.s32 $0xFFFFFFFF;
	p2 =	slt.u32 s8, $0xFFFFF086  }
0x1c: {  	p1 =	slt.u32 s9, $0xF7A;
	s5 =	simm.s32 @!p2 $0x0  }
0x1d: {  	s5 =	simm.s32 @p1 $0x1;
	p0 =	seq.s32 s7, s2  }
0x1e: {  	s7 =	smul.u32 @!p0 $0xF7A, s2;
	p2 =	seq.s32 @!p0 s5, $0x0  }
0x1f: {  	s9 =	smul.u32 $0xF7A, s1;
	s8 =	simm.s32 @!p0 $0x1BF5;
	p2 =	por !p2, p0  }
0x20: {  	[sflag:s8] =	ssyncset.s32 @!p0 $0xFFFFF086;
	s6 =	sadd.s32 @!p0 s3, s7;
	s7 =	simm.s32 @!p0 $0x108  }
0x21: {  	s3 =	sadd.s32 s3, s9;
	s6 =	sadd.s32 @!p0 $0x88, s6;
	s7 =	simm.s32 @p2 $0x1082  }
0x22: {  	[simem:s7], [sflag:s8] =	dma.local @!p0 [hbm:s6], $0xF7A  }
0x23: {  	s9 =	sor.u32 $0xD0000000, s2;
	s6 =	simm.s32 $0x108;
	_ =	swait.ge @!p0 [sflag:s8], $0x0  }
0x24: {  	s3 =	sadd.s32 $0x88, s3;
	s6 =	simm.s32 @!p1 $0x1082;
	[sflag:s4] =	ssyncset.s32 $0xFFFFF086  }
0x25: {  	[simem:s6], [sflag:s4] =	dma.local [hbm:s3], $0xF7A  }
0x26: {  	[smem:$0x3F9C] =	sst s1;
	(tag) =	ssettag s2;
	_ =	strace s9  }
0x27: {  	s1 =	sld [smem:$0x3FAC]  }
0x28: {  	s2 =	sld [smem:$0x3FAD]  }
0x29: {  	s4 =	sld [smem:$0x3FAF]  }
0x2a: {  	p0 =	seq.s32 s5, $0x0;
	s5 =	sld [smem:$0x3FB0]  }
0x2b: {  	s6 =	sld [smem:$0x3FB1]  }
0x2c: {  	s7 =	sld [smem:$0x3FB2]  }
0x2d: {  	s3 =	simm.s32 $0x108;
	s8 =	sld [smem:$0x3FB3]  }
0x2e: {  	s3 =	simm.s32 @!p0 $0x1082;
	s9 =	sld [smem:$0x3FB4]  }
0x2f: {  	lr =	sadd.s32 s0, s3;
	s0 =	sld [smem:$0x3FAB]  }
0x30: {  	s3 =	sld [smem:$0x3FAE]  }
0x31: {  	[smem:$0x3FB7] =	sst s10  }
0x32: {  	s10 =	sld [smem:$0x3FB5];
	_ =	sdelay $0x3  }
0x33: {  	p0 =	seq.s32 s10, $0x1;
	s10 =	sld [smem:$0x3FB7];
	_ =	sdelay $0x3  }
0x34: {  	[smem:$0x3FB7] =	sst s10  }
0x35: {  	s10 =	sld [smem:$0x3FB6];
	_ =	sdelay $0x3  }
0x36: {  	p1 =	seq.s32 s10, $0x1;
	s10 =	sld [smem:$0x3FB7];
	_ =	sdelay $0x3  }
0x37: {  	[smem:$0x3FB7] =	sst s10  }
0x38: {  	s10 =	sld [smem:$0x3FB8]  }
0x39: {  	_ = 	snop;
	(pc) =	sbr.ind lr, $3  }
0x3a: {  	_ = 	snop  }
0x3b: {  	_ = 	snop  }
0x3c: {  	p2 =	seq.s32 s10, $0x1;
	s10 =	sld [smem:$0x3FB7]  }
0x3d: {  	_ =	shalt  }
0x3e: {  	_ =	shalt  }
0x3f: {  	_ =	shalt  }
0x40: {  	_ =	shalt  }
0x41: {  	_ =	shalt  }
0x42: {  	_ =	shalt  }
0x43: {  	_ =	shalt  }
0x44: {  	_ =	shalt  }
0x45: {  	_ =	shalt  }
0x46: {  	_ =	shalt  }
0x47: {  	_ =	shalt  }
0x48: {  	_ =	shalt  }
0x49: {  	_ =	shalt  }
0x4a: {  	_ =	shalt  }
0x4b: {  	_ =	shalt  }
0x4c: {  	_ =	shalt  }
0x4d: {  	_ =	shalt  }
0x4e: {  	_ =	shalt  }
0x4f: {  	_ =	shalt  }
0x50: {  	_ =	shalt  }
0x51: {  	_ =	shalt  }
0x52: {  	_ =	shalt  }
0x53: {  	_ =	shalt  }
0x54: {  	_ =	shalt  }
0x55: {  	_ =	shalt  }
0x56: {  	_ =	shalt  }
0x57: {  	_ =	shalt  }
0x58: {  	_ =	shalt  }
0x59: {  	_ =	shalt  }
0x5a: {  	_ =	shalt  }
0x5b: {  	_ =	shalt  }
0x5c: {  	_ =	shalt  }
0x5d: {  	_ =	shalt  }
0x5e: {  	_ =	shalt  }
0x5f: {  	_ =	shalt  }
0x60: {  	_ =	shalt  }
0x61: {  	_ =	shalt  }
0x62: {  	_ =	shalt  }
0x63: {  	_ =	shalt  }
0x64: {  	_ =	shalt  }
0x65: {  	_ =	shalt  }
0x66: {  	_ =	shalt  }
0x67: {  	_ =	shalt  }
0x68: {  	_ =	shalt  }
0x69: {  	_ =	shalt  }
0x6a: {  	_ =	shalt  }
0x6b: {  	_ =	shalt  }
0x6c: {  	_ =	shalt  }
0x6d: {  	_ =	shalt  }
0x6e: {  	_ =	shalt  }
0x6f: {  	_ =	shalt  }
0x70: {  	_ =	shalt  }
0x71: {  	_ =	shalt  }
0x72: {  	_ =	shalt  }
0x73: {  	_ =	shalt  }
0x74: {  	_ =	shalt  }
0x75: {  	_ =	shalt  }
0x76: {  	_ =	shalt  }
0x77: {  	_ =	shalt  }
0x78: {  	_ =	shalt  }
0x79: {  	_ =	shalt  }
0x7a: {  	_ =	shalt  }
0x7b: {  	_ =	shalt  }
0x7c: {  	_ =	shalt  }
0x7d: {  	_ =	shalt  }
0x7e: {  	_ =	shalt  }
0x7f: {  	_ =	shalt  }
0x80: {  	_ =	shalt  }
0x81: {  	_ =	shalt  }
0x82: {  	_ =	shalt  }
0x83: {  	_ =	shalt  }
0x84: {  	_ =	shalt  }
0x85: {  	_ =	shalt  }
0x86: {  	_ =	shalt  }
0x87: {  	_ =	shalt  }
.Lfunc_end0:
.L_simem_size_0:
called_computation_lowered:
.L_overlay_start_0:
0x88: {  	s2 =	sld [smem:$0x3FD9]  }
0x89: {  	s3 =	sld [smem:$0x3FFE];
	_ =	sdelay $0x1  }
0x8a: {  	s1 =	srdreg.scid  }
0x8b: {  	s0 =	sand.u32 $0x1, s1  }
0x8c: {  	s17 =	sshll.u32 s0, $0xA;
	s2 =	sadd.s32 s3, s2  }
0x8d: {  	s2 =	sadd.s32 s2, s17  }
0x8e: {  	[smem:$0x3FC3] =	sst s2  }
0x8f: {  	_ = 	snop  }
0x90: {  	s2 =	sld [smem:$0x3FD0];
	(tm) =	ssettm $0x1  }
0x91: {  	s18 =	sld [smem:$0x3FFB];
	_ =	sdelay $0x3  }
0x92: {  	_ =	strace s18  }
0x93: {  	s3 =	sld [smem:$0x3FFC];
	_ =	sdelay $0x3  }
0x94: {  	_ =	strace s3  }
0x95: {  	s3 =	sld [smem:$0x3FFD];
	_ =	sdelay $0x3  }
0x96: {  	_ =	strace s3  }
0x97: {  	_ =	strace $0x8FFFFFFF  }
0x98: {  	s19 =	sld [smem:$0x3FDB];
	_ =	sdelay $0x1  }
0x99: {  	s4 =	simm.s32 $_scs_section_size  }
0x9a: {  	s5 =	simm.s32 $_size__tile_overlayer_lowered;
	s6 =	simm.s32 $_tile_overlayer_lowered  }
0x9b: {  	s22 =	simm.s32 $0x1BFF;
	s21 =	sshll.u32 s6, $0x1;
	s3 =	sadd.s32 s4, s19  }
0x9c: {  	s7 =	simm.s32 $0x0;
	s20 =	sshll.u32 s5, $0x1;
	s5 =	sadd.s32 s21, s3  }
0x9d: {  	[timem:s7], [sflag:s22] =	dma.local [hbm:s5], s20  }
0x9e: {  	_ =	swait.ge [sflag:s22], s20  }
0x9f: {  	s4 =	ssub.s32 $0x0, s20;
	[sflag:s22] =	ssyncset.done $0x0  }
0xa0: {  	[sflag:s22] =	ssyncadd.s32 s4;
	_ =	sdelay $0x1  }
0xa1: {  	s23 =	simm.s32 $0x1B8B  }
0xa2: {  	_ =	swait.ge [sflag:s23], $0x1  }
0xa3: {  	[sflag:s23] =	ssyncset.done $0x0  }
0xa4: {  	s25 =	simm.s32 $0x1B8E;
	s24 =	sld [smem:$0x3FFE];
	[sflag:s23] =	ssyncadd.s32 $0xFFFFFFFF  }
0xa5: {  	s26 =	simm.s32 $execute0_lowered;
	[smem:$0x3FD2] =	sst s25  }
0xa6: {  	s5 =	sshll.u32 s26, $0x1;
	_ =	strace $0x80000046;
	[dreg:$0x1] =	wrdreg $0xFFFFFFFF  }
0xa7: {  	s28 =	simm.s32 $_size_execute0_lowered;
	s3 =	sadd.s32 s3, s5;
	[dreg:$0x0] =	wrdreg $0x0  }
0xa8: {  	s5 =	sshll.u32 s28, $0x1;
	[dreg:$0x2] =	wrdreg s3  }
0xa9: {  	[dreg:$0x3] =	wrdreg s5  }
0xaa: {  	[dreg:$0x4] =	wrdreg $0xC0  }
0xab: {  	_ =	task [dreg:s7], $0x5FFFF  }
0xac: {  	[dreg:$0x1] =	wrdreg $0xFFFFFFFF  }
0xad: {  	[dreg:$0x0] =	wrdreg $0x60  }
0xae: {  	[dreg:$0x2] =	wrdreg s24  }
0xaf: {  	[dreg:$0x3] =	wrdreg s2  }
0xb0: {  	[dreg:$0x4] =	wrdreg $0x9  }
0xb1: {  	_ =	task.clear_ibuf [dreg:s7], $0x5FFFF;
	_ =	strace $0x90000046  }
0xb2: {  	s29 =	simm.s32 $0x9;
	_ =	strace $0x80000048  }
0xb3: {  	_ =	swait.ge [sflag:s29], $0x1  }
0xb4: {  	[sflag:s29] =	ssyncadd.s32 $0xFFFFFFFF  }
0xb5: {  	_ =	strace $0x90000048  }
0xb6: {  	_ =	sfence  }
0xb7: {  	s30 =	sld [smem:$0x0];
	_ =	sdelay $0x2  }
0xb8: {  	s31 =	sshll.u32 s1, $0xD;
	s1 =	sshrl.u32 s1, $0x2  }
0xb9: {  	s3 =	sand.u32 $0x4000, s31;
	s1 =	sadd.s32 s1, s30  }
0xba: {  	s0 =	sor.u32 s3, s0;
	s1 =	sshll.u32 s1, $0x11  }
0xbb: {  	s0 =	sor.u32 s1, s0  }
0xbc: {  	s0 =	sadd.s32 $0x8F2B, s0  }
0xbd: {  	[sflag:s0] =	ssyncadd.remote.s32 $0x1  }
0xbe: {  	_ =	sfence.sel $0xFFFF  }
0xbf: {  	[dreg:$0x0] =	wrdreg $0xFFFFFFFF;
	(pc) =	sbr.abs _section_cstart, $3  }
0xc0: {  	[dreg:$0x1] =	wrdreg $0xFFFFFFFF  }
0xc1: {  	_ =	task.clear_ibuf [dreg:s7], $0x2FFFF;
	_ =	strace $0x9FFFFFFF  }
0xc2: {  	(tm) =	ssettm $0x7FFFFFFF  }
0xc3: {  	_ =	shalt  }
tec
execute0_lowered:
.L_overlay_start_1:
0x0: {  	(tag) =	ssettag $0x1  }
0x1: {  	s0 =	rddreg [dreg:$0x0]  }
0x2: {  	s1 =	rddreg [dreg:$0x1];
	s3 =	simm.s32 $0x0;
	s2 =	srdreg.scid  }
0x3: {  	s7 =	stileid.u32;
	s9 =	simm.s32 $0x4;
	s29 =	simm.s32 $0x9200  }
0x4: {  	s30 =	simm.s32 $0x9A00;
	s31 =	simm.s32 $0xA200;
	s8 =	simm.s32 $0xBA00  }
0x5: {  	s10 =	simm.s32 $0xCA00;
	s11 =	simm.s32 $0x1;
	s12 =	simm.s32 $0x2  }
0x6: {  	s13 =	simm.s32 $0xD200;
	s14 =	simm.s32 $0x3;
	s4 =	sand.u32 $0x1, s2  }
.Ltmp0:
0x7: {  	s16 =	simm.s32 $0x0;
	s2 =	ssub.s32 $0x2, s4;
	(pc) =	sbr.rel .LBB2_1-.Ltmp0, $4  }
0x8: {  	v2 =	vlaneseq.u32;
	[smem:$0x7FF] =	sst s3;
	s5 =	sadd.s32 $0x2200, s0;
	s26 =	sshrl.u32 s2, $0x1  }
0x9: {  	vm0 =	vmmov $0xffff;
	v3 =	vimm.s32 $0x0;
	v4 =	vimm.s32 $0x1;
	s6 =	sadd.s32 $0x1CC00, s0;
	s7 =	sshll.u32 s7, $0x1;
	s28 =	ssub.s32 s2, s26  }
0xa: {  	v5 =	vimm.s32 $0x2;
	v6 =	vimm.s32 $0x3;
	v1 =	vshrl.u32 v2, $0x3;
	s3 =	simm.s32 $0xB200;
	_ =	strace $0x80000047;
	s0 =	smax.u32 s28, $0x1  }
0xb: {  	v0 =	vand.u32 $0x7, v2;
	v2 =	vor.u32 $0x8, v2;
	v1 =	vmul.u32 $0x8, v1;
	s2 =	simm.s32 $0xC200;
	[dreg:$0x3] =	wrdreg s0;
	s0 =	simm.s32 $0xAA00  }
.LBB2_7:
0xc: {  	s16 =	rddreg [dreg:$0x4]  }
0xd: {  	s15 =	rddreg [dreg:$0x3];
	s16 =	sadd.s32 $0x1, s16  }
0xe: {  	p0 =	sne.s32 s16, s15  }
.Ltmp1:
0xf: {  	_ = 	snop;
	(pc) =	sbr.rel @!p0 .LBB2_8-.Ltmp1, $1  }
0x10: {  	_ =	sdelay $0x3  }
.LBB2_1:
.Ltmp2:
0x11: {  	(pc) =	sbr.rel .LBB2_2-.Ltmp2, $2  }
0x12: {  	_ =	sdelay $0x2  }
0x13: {  	[dreg:$0x4] =	wrdreg s16;
	s15 =	simm.s32 $0x0  }
.LBB2_6:
0x14: {  	s15 =	sadd.s32 $0x1, s15  }
0x15: {  	p0 =	sne.s32 s15, $0x3F  }
.Ltmp3:
0x16: {  	_ = 	snop;
	(pc) =	sbr.rel @!p0 .LBB2_7-.Ltmp3, $1  }
0x17: {  	_ =	sdelay $0x3  }
.LBB2_2:
0x18: {  	s16 =	sshll.u32 s15, $0x5  }
0x19: {  	s16 =	sor.u32 s7, s16  }
0x1a: {  	p0 =	sgt.u32 s16, $0x7CF  }
.Ltmp4:
0x1b: {  	_ = 	snop;
	(pc) =	sbr.rel @p0 .LBB2_6-.Ltmp4, $1  }
0x1c: {  	_ =	sdelay $0x3  }
0x1d: {  	s17 =	sor.u32 s4, s16  }
0x1e: {  	s18 =	smul.u32 $0x36, s17;
	_ =	sdelay $0x1  }
0x1f: {  	s19 =	sadd.s32 s5, s18;
	s18 =	simm.s32 $0x0  }
0x20: {  	[tilespmem:s18], [sflag:$0x4] =	stream.linear.gather [hbm4b:s19+s18], $0x1B0, $0x38;
	[tilespmem:$0x10A00] =	vst v63  }
0x21: {  	_ =	swait.ge [sflag:s9], $0x1B0  }
0x22: {  	[sflag:s9] =	ssyncset.done $0x0  }
0x23: {  	[sflag:s9] =	ssyncadd.s32 $0xFFFFFE50  }
0x24: {  	v7 =	vld [tilespmem:$0x0];
	_ =	sdelay $0x4  }
0x25: {  	v8 =	vshll.u32 v7, $0x1  }
0x26: {  	v7 =	vand.u32 $0x7, v7;
	v8 =	vand.u32 $0xFFFFFFF0, v8  }
0x27: {  	v7 =	vor.u32 v7, v8  }
0x28: {  	v8 =	vperm.xlane v7, v0;
	_ =	sdelay $0x1  }
0x29: {  	v7 =	vperm.xlane v7, v2;
	v8 =	vadd.s32 v1, v8;
	_ =	sdelay $0x1  }
0x2a: {  	v7 =	vadd.s32 v1, v7;
	_ =	sdelay $0x1  }
0x2b: {  	s22 =	simm.s32 $0x200  }
0x2c: {  	[tilespmem:s22], [sflag:$0x1] =	stream.indirect_vreg.gather [hbm4b:s1+s18], $0x80, v8, vm0, $0xb8;
	[tilespmem:$0x10A00] =	vst v63  }
0x2d: {  	s23 =	simm.s32 $0xA00  }
0x2e: {  	[tilespmem:s23], [sflag:$0x1] =	stream.indirect_vreg.gather [hbm4b:s1+s18], $0x80, v7, vm0, $0xb8;
	[tilespmem:$0x10A00] =	vst v63  }
0x2f: {  	v7 =	vld [tilespmem:$0x10];
	_ =	sdelay $0x4  }
0x30: {  	v8 =	vshll.u32 v7, $0x1  }
0x31: {  	v7 =	vand.u32 $0x7, v7;
	v8 =	vand.u32 $0xFFFFFFF0, v8  }
0x32: {  	v7 =	vor.u32 v7, v8  }
0x33: {  	v8 =	vperm.xlane v7, v0;
	_ =	sdelay $0x1  }
0x34: {  	v7 =	vperm.xlane v7, v2;
	v8 =	vadd.s32 v1, v8;
	_ =	sdelay $0x1  }
0x35: {  	v7 =	vadd.s32 v1, v7;
	_ =	sdelay $0x1  }
0x36: {  	s24 =	simm.s32 $0x1200  }
0x37: {  	[tilespmem:s24], [sflag:$0x1] =	stream.indirect_vreg.gather [hbm4b:s1+s18], $0x80, v8, vm0, $0xb8;
	[tilespmem:$0x10A00] =	vst v63  }
0x38: {  	s25 =	simm.s32 $0x1A00  }
0x39: {  	[tilespmem:s25], [sflag:$0x1] =	stream.indirect_vreg.gather [hbm4b:s1+s18], $0x80, v7, vm0, $0xb8;
	[tilespmem:$0x10A00] =	vst v63  }
0x3a: {  	v7 =	vld [tilespmem:$0x20];
	_ =	sdelay $0x4  }
0x3b: {  	v8 =	vshll.u32 v7, $0x1  }
0x3c: {  	v7 =	vand.u32 $0x7, v7;
	v8 =	vand.u32 $0xFFFFFFF0, v8  }
0x3d: {  	v7 =	vor.u32 v7, v8  }
0x3e: {  	v8 =	vperm.xlane v7, v0;
	_ =	sdelay $0x1  }
0x3f: {  	v7 =	vperm.xlane v7, v2;
	v8 =	vadd.s32 v1, v8;
	_ =	sdelay $0x1  }
0x40: {  	v7 =	vadd.s32 v1, v7;
	_ =	sdelay $0x1  }
0x41: {  	s26 =	simm.s32 $0x2200  }
0x42: {  	[tilespmem:s26], [sflag:$0x1] =	stream.indirect_vreg.gather [hbm4b:s1+s18], $0x80, v8, vm0, $0xb8;
	[tilespmem:$0x10A00] =	vst v63  }
0x43: {  	s28 =	simm.s32 $0x2A00  }
0x44: {  	[tilespmem:s28], [sflag:$0x1] =	stream.indirect_vreg.gather [hbm4b:s1+s18], $0x80, v7, vm0, $0xb8;
	[tilespmem:$0x10A00] =	vst v63  }
0x45: {  	v7 =	vld [tilespmem:$0x30];
	_ =	sdelay $0x4  }
0x46: {  	v8 =	vshll.u32 v7, $0x1  }
0x47: {  	v7 =	vand.u32 $0x7, v7;
	v8 =	vand.u32 $0xFFFFFFF0, v8  }
0x48: {  	v7 =	vor.u32 v7, v8  }
0x49: {  	v8 =	vperm.xlane v7, v0;
	_ =	sdelay $0x1  }
0x4a: {  	v7 =	vperm.xlane v7, v2;
	v8 =	vadd.s32 v1, v8;
	_ =	sdelay $0x1  }
0x4b: {  	v7 =	vadd.s32 v1, v7;
	_ =	sdelay $0x1  }
0x4c: {  	s20 =	simm.s32 $0x3200  }
0x4d: {  	[tilespmem:s20], [sflag:$0x1] =	stream.indirect_vreg.gather [hbm4b:s1+s18], $0x80, v8, vm0, $0xb8;
	[tilespmem:$0x10A00] =	vst v63  }
0x4e: {  	s21 =	simm.s32 $0x3A00  }
0x4f: {  	[tilespmem:s21], [sflag:$0x1] =	stream.indirect_vreg.gather [hbm4b:s1+s18], $0x80, v7, vm0, $0xb8;
	[tilespmem:$0x10A00] =	vst v63  }
0x50: {  	v7 =	vld [tilespmem:$0x40];
	_ =	sdelay $0x4  }
0x51: {  	v8 =	vshll.u32 v7, $0x1  }
0x52: {  	v7 =	vand.u32 $0x7, v7;
	v8 =	vand.u32 $0xFFFFFFF0, v8  }
0x53: {  	v7 =	vor.u32 v7, v8  }
0x54: {  	v8 =	vperm.xlane v7, v0;
	_ =	sdelay $0x1  }
0x55: {  	v7 =	vperm.xlane v7, v2;
	v8 =	vadd.s32 v1, v8;
	_ =	sdelay $0x1  }
0x56: {  	v7 =	vadd.s32 v1, v7;
	_ =	sdelay $0x1  }
0x57: {  	s22 =	simm.s32 $0x4200  }
0x58: {  	[tilespmem:s22], [sflag:$0x1] =	stream.indirect_vreg.gather [hbm4b:s1+s18], $0x80, v8, vm0, $0xb8;
	[tilespmem:$0x10A00] =	vst v63  }
0x59: {  	s23 =	simm.s32 $0x4A00  }
0x5a: {  	[tilespmem:s23], [sflag:$0x1] =	stream.indirect_vreg.gather [hbm4b:s1+s18], $0x80, v7, vm0, $0xb8;
	[tilespmem:$0x10A00] =	vst v63  }
0x5b: {  	v7 =	vld [tilespmem:$0x50];
	_ =	sdelay $0x4  }
0x5c: {  	v8 =	vshll.u32 v7, $0x1  }
0x5d: {  	v7 =	vand.u32 $0x7, v7;
	v8 =	vand.u32 $0xFFFFFFF0, v8  }
0x5e: {  	v7 =	vor.u32 v7, v8  }
0x5f: {  	v8 =	vperm.xlane v7, v0;
	_ =	sdelay $0x1  }
0x60: {  	v7 =	vperm.xlane v7, v2;
	v8 =	vadd.s32 v1, v8;
	_ =	sdelay $0x1  }
0x61: {  	v7 =	vadd.s32 v1, v7;
	_ =	sdelay $0x1  }
0x62: {  	s24 =	simm.s32 $0x5200  }
0x63: {  	[tilespmem:s24], [sflag:$0x1] =	stream.indirect_vreg.gather [hbm4b:s1+s18], $0x80, v8, vm0, $0xb8;
	[tilespmem:$0x10A00] =	vst v63  }
0x64: {  	s25 =	simm.s32 $0x5A00  }
0x65: {  	[tilespmem:s25], [sflag:$0x1] =	stream.indirect_vreg.gather [hbm4b:s1+s18], $0x80, v7, vm0, $0xb8;
	[tilespmem:$0x10A00] =	vst v63  }
0x66: {  	v7 =	vld.msk [tilespmem:$0x60], $0xff;
	_ =	sdelay $0x4  }
0x67: {  	v8 =	vshll.u32 v7, $0x1  }
0x68: {  	v7 =	vand.u32 $0x7, v7;
	v8 =	vand.u32 $0xFFFFFFF0, v8  }
0x69: {  	v7 =	vor.u32 v7, v8  }
0x6a: {  	v7 =	vperm.xlane v7, v0;
	_ =	sdelay $0x1  }
0x6b: {  	v7 =	vadd.s32 v1, v7;
	_ =	sdelay $0x3  }
0x6c: {  	s26 =	simm.s32 $0x6200  }
0x6d: {  	[tilespmem:s26], [sflag:$0x1] =	stream.indirect_vreg.gather [hbm4b:s1+s18], $0x80, v7, vm0, $0xb8;
	[tilespmem:$0x10A00] =	vst v63  }
0x6e: {  	v7 =	vld [tilespmem:$0x68];
	_ =	sdelay $0x4  }
0x6f: {  	v8 =	vshll.u32 v7, $0x1  }
0x70: {  	v7 =	vand.u32 $0x7, v7;
	v8 =	vand.u32 $0xFFFFFFF0, v8  }
0x71: {  	v7 =	vor.u32 v7, v8  }
0x72: {  	v8 =	vperm.xlane v7, v0;
	_ =	sdelay $0x1  }
0x73: {  	v7 =	vperm.xlane v7, v2;
	v8 =	vadd.s32 v1, v8;
	_ =	sdelay $0x1  }
0x74: {  	v7 =	vadd.s32 v1, v7;
	_ =	sdelay $0x1  }
0x75: {  	s28 =	simm.s32 $0x6A00  }
0x76: {  	[tilespmem:s28], [sflag:$0x2] =	stream.indirect_vreg.gather [hbm4b:s1+s18], $0x80, v8, vm0, $0xb8;
	[tilespmem:$0x10A00] =	vst v63  }
0x77: {  	s20 =	simm.s32 $0x7200  }
0x78: {  	[tilespmem:s20], [sflag:$0x2] =	stream.indirect_vreg.gather [hbm4b:s1+s18], $0x80, v7, vm0, $0xb8;
	[tilespmem:$0x10A00] =	vst v63  }
0x79: {  	v7 =	vld [tilespmem:$0x78];
	_ =	sdelay $0x4  }
0x7a: {  	v8 =	vshll.u32 v7, $0x1  }
0x7b: {  	v7 =	vand.u32 $0x7, v7;
	v8 =	vand.u32 $0xFFFFFFF0, v8  }
0x7c: {  	v7 =	vor.u32 v7, v8  }
0x7d: {  	v8 =	vperm.xlane v7, v0;
	_ =	sdelay $0x1  }
0x7e: {  	v7 =	vperm.xlane v7, v2;
	v8 =	vadd.s32 v1, v8;
	_ =	sdelay $0x1  }
0x7f: {  	v7 =	vadd.s32 v1, v7;
	_ =	sdelay $0x1  }
0x80: {  	s21 =	simm.s32 $0x7A00  }
0x81: {  	[tilespmem:s21], [sflag:$0x2] =	stream.indirect_vreg.gather [hbm4b:s1+s18], $0x80, v8, vm0, $0xb8;
	[tilespmem:$0x10A00] =	vst v63  }
0x82: {  	s22 =	simm.s32 $0x8200  }
0x83: {  	[tilespmem:s22], [sflag:$0x2] =	stream.indirect_vreg.gather [hbm4b:s1+s18], $0x80, v7, vm0, $0xb8;
	[tilespmem:$0x10A00] =	vst v63  }
0x84: {  	v7 =	vld [tilespmem:$0x88];
	_ =	sdelay $0x4  }
0x85: {  	v8 =	vshll.u32 v7, $0x1  }
0x86: {  	v7 =	vand.u32 $0x7, v7;
	v8 =	vand.u32 $0xFFFFFFF0, v8  }
0x87: {  	v7 =	vor.u32 v7, v8  }
0x88: {  	v8 =	vperm.xlane v7, v0;
	_ =	sdelay $0x1  }
0x89: {  	v7 =	vperm.xlane v7, v2;
	v8 =	vadd.s32 v1, v8;
	_ =	sdelay $0x1  }
0x8a: {  	v7 =	vadd.s32 v1, v7;
	_ =	sdelay $0x1  }
0x8b: {  	s23 =	simm.s32 $0x8A00  }
0x8c: {  	[tilespmem:s23], [sflag:$0x2] =	stream.indirect_vreg.gather [hbm4b:s1+s18], $0x80, v8, vm0, $0xb8;
	[tilespmem:$0x10A00] =	vst v63  }
0x8d: {  	_ = 	snop  }
0x8e: {  	[tilespmem:s29], [sflag:$0x2] =	stream.indirect_vreg.gather [hbm4b:s1+s18], $0x80, v7, vm0, $0xb8;
	[tilespmem:$0x10A00] =	vst v63  }
0x8f: {  	v7 =	vld [tilespmem:$0x98];
	_ =	sdelay $0x4  }
0x90: {  	v8 =	vshll.u32 v7, $0x1  }
0x91: {  	v7 =	vand.u32 $0x7, v7;
	v8 =	vand.u32 $0xFFFFFFF0, v8  }
0x92: {  	v7 =	vor.u32 v7, v8  }
0x93: {  	v8 =	vperm.xlane v7, v0;
	_ =	sdelay $0x1  }
0x94: {  	v7 =	vperm.xlane v7, v2;
	v8 =	vadd.s32 v1, v8;
	_ =	sdelay $0x1  }
0x95: {  	v7 =	vadd.s32 v1, v7;
	_ =	sdelay $0x2  }
0x96: {  	[tilespmem:s30], [sflag:$0x2] =	stream.indirect_vreg.gather [hbm4b:s1+s18], $0x80, v8, vm0, $0xb8;
	[tilespmem:$0x10A00] =	vst v63  }
0x97: {  	_ = 	snop  }
0x98: {  	[tilespmem:s31], [sflag:$0x2] =	stream.indirect_vreg.gather [hbm4b:s1+s18], $0x80, v7, vm0, $0xb8;
	[tilespmem:$0x10A00] =	vst v63  }
0x99: {  	v7 =	vld [tilespmem:$0xA8];
	_ =	sdelay $0x4  }
0x9a: {  	v8 =	vshll.u32 v7, $0x1  }
0x9b: {  	v7 =	vand.u32 $0x7, v7;
	v8 =	vand.u32 $0xFFFFFFF0, v8  }
0x9c: {  	v7 =	vor.u32 v7, v8  }
0x9d: {  	v8 =	vperm.xlane v7, v0;
	_ =	sdelay $0x1  }
0x9e: {  	v7 =	vperm.xlane v7, v2;
	v8 =	vadd.s32 v1, v8;
	_ =	sdelay $0x1  }
0x9f: {  	v7 =	vadd.s32 v1, v7;
	_ =	sdelay $0x2  }
0xa0: {  	[tilespmem:s0], [sflag:$0x2] =	stream.indirect_vreg.gather [hbm4b:s1+s18], $0x80, v8, vm0, $0xb8;
	[tilespmem:$0x10A00] =	vst v63  }
0xa1: {  	_ = 	snop  }
0xa2: {  	[tilespmem:s3], [sflag:$0x2] =	stream.indirect_vreg.gather [hbm4b:s1+s18], $0x80, v7, vm0, $0xb8;
	[tilespmem:$0x10A00] =	vst v63  }
0xa3: {  	v7 =	vld [tilespmem:$0xB8];
	_ =	sdelay $0x4  }
0xa4: {  	v8 =	vshll.u32 v7, $0x1  }
0xa5: {  	v7 =	vand.u32 $0x7, v7;
	v8 =	vand.u32 $0xFFFFFFF0, v8  }
0xa6: {  	v7 =	vor.u32 v7, v8  }
0xa7: {  	v8 =	vperm.xlane v7, v0;
	_ =	sdelay $0x1  }
0xa8: {  	v7 =	vperm.xlane v7, v2;
	v8 =	vadd.s32 v1, v8;
	_ =	sdelay $0x1  }
0xa9: {  	v7 =	vadd.s32 v1, v7;
	_ =	sdelay $0x2  }
0xaa: {  	[tilespmem:s8], [sflag:$0x2] =	stream.indirect_vreg.gather [hbm4b:s1+s18], $0x80, v8, vm0, $0xb8;
	[tilespmem:$0x10A00] =	vst v63  }
0xab: {  	_ = 	snop  }
0xac: {  	[tilespmem:s2], [sflag:$0x2] =	stream.indirect_vreg.gather [hbm4b:s1+s18], $0x80, v7, vm0, $0xb8;
	[tilespmem:$0x10A00] =	vst v63  }
0xad: {  	v7 =	vld.msk [tilespmem:$0xC8], $0xff;
	_ =	sdelay $0x4  }
0xae: {  	v8 =	vshll.u32 v7, $0x1  }
0xaf: {  	v7 =	vand.u32 $0x7, v7;
	v8 =	vand.u32 $0xFFFFFFF0, v8  }
0xb0: {  	v7 =	vor.u32 v7, v8  }
0xb1: {  	v7 =	vperm.xlane v7, v0;
	_ =	sdelay $0x1  }
0xb2: {  	v7 =	vadd.s32 v1, v7;
	_ =	sdelay $0x4  }
0xb3: {  	[tilespmem:s10], [sflag:$0x2] =	stream.indirect_vreg.gather [hbm4b:s1+s18], $0x80, v7, vm0, $0xb8;
	[tilespmem:$0x10A00] =	vst v63  }
0xb4: {  	_ =	swait.ge [sflag:s11], $0x6800  }
0xb5: {  	[sflag:s11] =	ssyncset.done $0x0  }
0xb6: {  	[sflag:s11] =	ssyncadd.s32 $0xFFFF9800  }
0xb7: {  	_ =	swait.ge [sflag:s12], $0x6800  }
0xb8: {  	s24 =	sand.u32 $0x7800, s18;
	[sflag:s12] =	ssyncset.done $0x0  }
0xb9: {  	s20 =	simm.s32 $0xD0;
	s21 =	sand.u32 $0x300, s18;
	[sflag:s12] =	ssyncadd.s32 $0xFFFF9800  }
0xba: {  	s19 =	sor.u32 s21, s24;
	v10 =	vld [tilespmem:s20+$0x0]  }
0xbb: {  	v11 =	vld [tilespmem:s19+$0x200]  }
0xbc: {  	v12 =	vld [tilespmem:s19+$0x280]  }
0xbd: {  	s25 =	smulhi.u32 $0x24924925, s18  }
0xbe: {  	s22 =	smul.u32 $0x25, s18;
	v13 =	vld [tilespmem:s19+$0x6A00]  }
0xbf: {  	s23 =	ssub.s32 $0x0, s25;
	v8 =	vperm.xlane v10, v3;
	v7 =	vperm.xlane v10, v4  }
0xc0: {  	s22 =	sshrl.u32 s22, $0x8;
	s23 =	sshrl.u32 s23, $0x1;
	v14 =	vld [tilespmem:s19+$0x6A80];
	v9 =	vperm.xlane v10, v5  }
0xc1: {  	s26 =	ssub.s32 $0x0, s22;
	s21 =	sadd.s32 s25, s23;
	v11 =	vmul.f32 v11, v8;
	v12 =	vmul.f32 v12, v7  }
0xc2: {  	s23 =	sand.u32 $0xFE, s26;
	s21 =	sshrl.u32 s21, $0x2  }
0xc3: {  	s23 =	sshrl.u32 s23, $0x1;
	s24 =	smul.u32 $0xFFFFF900, s21;
	v10 =	vperm.xlane v10, v6;
	v56 =	vmul.f32 v13, v9;
	v11 =	vadd.f32 v12, v11  }
0xc4: {  	s22 =	sadd.s32 s22, s23  }
0xc5: {  	s21 =	sshll.u32 s21, $0x7;
	s22 =	sand.u32 $0xFC, s22;
	s28 =	sadd.s32 $0x0, s24;
	v57 =	vmul.f32 v14, v10;
	v11 =	vadd.f32 v56, v11  }
0xc6: {  	s21 =	sadd.s32 $0x0, s21;
	s22 =	sshll.u32 s22, $0x9;
	s23 =	sand.u32 $0xFFFFF800, s28  }
0xc7: {  	s21 =	sand.u32 $0x380, s21;
	s22 =	sadd.s32 s23, s22;
	v11 =	vadd.f32 v57, v11  }
0xc8: {  	s21 =	sor.u32 s21, s22  }
0xc9: {  	[tilespmem:s21+$0xD200] =	vst v11  }
0xca: {  	v11 =	vld [tilespmem:s19+$0x210]  }
0xcb: {  	v58 =	vld [tilespmem:s19+$0x290];
	_ =	sdelay $0x1  }
0xcc: {  	v59 =	vld [tilespmem:s19+$0x6A10];
	_ =	sdelay $0x1  }
0xcd: {  	v60 =	vld [tilespmem:s19+$0x6A90]  }
0xce: {  	v11 =	vmul.f32 v11, v8;
	v12 =	vmul.f32 v58, v7;
	_ =	sdelay $0x1  }
0xcf: {  	v61 =	vmul.f32 v59, v9;
	v11 =	vadd.f32 v12, v11;
	_ =	sdelay $0x1  }
0xd0: {  	v62 =	vmul.f32 v60, v10;
	v11 =	vadd.f32 v61, v11;
	_ =	sdelay $0x1  }
0xd1: {  	v11 =	vadd.f32 v62, v11;
	_ =	sdelay $0x1  }
0xd2: {  	[tilespmem:s21+$0xD210] =	vst v11  }
0xd3: {  	v11 =	vld [tilespmem:s19+$0x220]  }
0xd4: {  	v63 =	vld [tilespmem:s19+$0x2A0];
	_ =	sdelay $0x1  }
0xd5: {  	v16 =	vld [tilespmem:s19+$0x6A20];
	_ =	sdelay $0x1  }
0xd6: {  	v17 =	vld [tilespmem:s19+$0x6AA0]  }
0xd7: {  	v11 =	vmul.f32 v11, v8;
	v12 =	vmul.f32 v63, v7;
	_ =	sdelay $0x1  }
0xd8: {  	v18 =	vmul.f32 v16, v9;
	v11 =	vadd.f32 v12, v11;
	_ =	sdelay $0x1  }
0xd9: {  	v19 =	vmul.f32 v17, v10;
	v11 =	vadd.f32 v18, v11;
	_ =	sdelay $0x1  }
0xda: {  	v11 =	vadd.f32 v19, v11;
	_ =	sdelay $0x1  }
0xdb: {  	[tilespmem:s21+$0xD220] =	vst v11  }
0xdc: {  	v11 =	vld [tilespmem:s19+$0x2B0]  }
0xdd: {  	v20 =	vld [tilespmem:s19+$0x230];
	_ =	sdelay $0x1  }
0xde: {  	v21 =	vld [tilespmem:s19+$0x6A30];
	_ =	sdelay $0x1  }
0xdf: {  	v22 =	vld [tilespmem:s19+$0x6AB0]  }
0xe0: {  	v11 =	vmul.f32 v11, v7;
	v12 =	vmul.f32 v20, v8;
	_ =	sdelay $0x1  }
0xe1: {  	v13 =	vmul.f32 v21, v9;
	v11 =	vadd.f32 v11, v12;
	_ =	sdelay $0x1  }
0xe2: {  	v23 =	vmul.f32 v22, v10;
	v11 =	vadd.f32 v13, v11;
	_ =	sdelay $0x1  }
0xe3: {  	v11 =	vadd.f32 v23, v11;
	_ =	sdelay $0x1  }
0xe4: {  	[tilespmem:s21+$0xD230] =	vst v11  }
0xe5: {  	v11 =	vld [tilespmem:s19+$0x240]  }
0xe6: {  	v24 =	vld [tilespmem:s19+$0x2C0];
	_ =	sdelay $0x1  }
0xe7: {  	v25 =	vld [tilespmem:s19+$0x6A40];
	_ =	sdelay $0x1  }
0xe8: {  	v26 =	vld [tilespmem:s19+$0x6AC0]  }
0xe9: {  	v11 =	vmul.f32 v11, v8;
	v12 =	vmul.f32 v24, v7;
	_ =	sdelay $0x1  }
0xea: {  	v13 =	vmul.f32 v25, v9;
	v11 =	vadd.f32 v12, v11;
	_ =	sdelay $0x1  }
0xeb: {  	v27 =	vmul.f32 v26, v10;
	v11 =	vadd.f32 v13, v11;
	_ =	sdelay $0x1  }
0xec: {  	v11 =	vadd.f32 v27, v11;
	_ =	sdelay $0x1  }
0xed: {  	[tilespmem:s21+$0xD240] =	vst v11  }
0xee: {  	v11 =	vld [tilespmem:s19+$0x250]  }
0xef: {  	v28 =	vld [tilespmem:s19+$0x2D0];
	_ =	sdelay $0x1  }
0xf0: {  	v29 =	vld [tilespmem:s19+$0x6A50];
	_ =	sdelay $0x1  }
0xf1: {  	v30 =	vld [tilespmem:s19+$0x6AD0]  }
0xf2: {  	v11 =	vmul.f32 v11, v8;
	v12 =	vmul.f32 v28, v7;
	_ =	sdelay $0x1  }
0xf3: {  	v13 =	vmul.f32 v29, v9;
	v11 =	vadd.f32 v12, v11;
	_ =	sdelay $0x1  }
0xf4: {  	v31 =	vmul.f32 v30, v10;
	v11 =	vadd.f32 v13, v11;
	_ =	sdelay $0x1  }
0xf5: {  	v11 =	vadd.f32 v31, v11;
	_ =	sdelay $0x1  }
0xf6: {  	[tilespmem:s21+$0xD250] =	vst v11  }
0xf7: {  	v11 =	vld [tilespmem:s19+$0x260]  }
0xf8: {  	v32 =	vld [tilespmem:s19+$0x2E0];
	_ =	sdelay $0x1  }
0xf9: {  	v33 =	vld [tilespmem:s19+$0x6A60];
	_ =	sdelay $0x1  }
0xfa: {  	v34 =	vld [tilespmem:s19+$0x6AE0]  }
0xfb: {  	v11 =	vmul.f32 v11, v8;
	v12 =	vmul.f32 v32, v7;
	_ =	sdelay $0x1  }
0xfc: {  	v13 =	vmul.f32 v33, v9;
	v11 =	vadd.f32 v12, v11;
	_ =	sdelay $0x1  }
0xfd: {  	v35 =	vmul.f32 v34, v10;
	v11 =	vadd.f32 v13, v11;
	_ =	sdelay $0x1  }
0xfe: {  	v11 =	vadd.f32 v35, v11;
	_ =	sdelay $0x1  }
0xff: {  	[tilespmem:s21+$0xD260] =	vst v11  }
0x100: {  	v11 =	vld [tilespmem:s19+$0x270]  }
0x101: {  	v36 =	vld [tilespmem:s19+$0x2F0];
	_ =	sdelay $0x1  }
0x102: {  	v37 =	vld [tilespmem:s19+$0x6A70];
	_ =	sdelay $0x1  }
0x103: {  	v38 =	vld [tilespmem:s19+$0x6AF0]  }
0x104: {  	v11 =	vmul.f32 v11, v8;
	v12 =	vmul.f32 v36, v7;
	_ =	sdelay $0x1  }
0x105: {  	v13 =	vmul.f32 v37, v9;
	v11 =	vadd.f32 v12, v11;
	_ =	sdelay $0x1  }
0x106: {  	v39 =	vmul.f32 v38, v10;
	v11 =	vadd.f32 v13, v11;
	_ =	sdelay $0x1  }
0x107: {  	v11 =	vadd.f32 v39, v11;
	_ =	sdelay $0x1  }
0x108: {  	[tilespmem:s21+$0xD270] =	vst v11  }
0x109: {  	v11 =	vld [tilespmem:s19+$0x600]  }
0x10a: {  	v40 =	vld [tilespmem:s19+$0x680];
	_ =	sdelay $0x1  }
0x10b: {  	v41 =	vld [tilespmem:s19+$0x6E00];
	_ =	sdelay $0x1  }
0x10c: {  	v42 =	vld [tilespmem:s19+$0x6E80]  }
0x10d: {  	v11 =	vmul.f32 v11, v8;
	v12 =	vmul.f32 v40, v7;
	_ =	sdelay $0x1  }
0x10e: {  	v13 =	vmul.f32 v41, v9;
	v11 =	vadd.f32 v12, v11;
	_ =	sdelay $0x1  }
0x10f: {  	v43 =	vmul.f32 v42, v10;
	v11 =	vadd.f32 v13, v11;
	_ =	sdelay $0x1  }
0x110: {  	v11 =	vadd.f32 v43, v11;
	_ =	sdelay $0x1  }
0x111: {  	[tilespmem:s21+$0xD600] =	vst v11  }
0x112: {  	v11 =	vld [tilespmem:s19+$0x610]  }
0x113: {  	v44 =	vld [tilespmem:s19+$0x690];
	_ =	sdelay $0x1  }
0x114: {  	v45 =	vld [tilespmem:s19+$0x6E10];
	_ =	sdelay $0x1  }
0x115: {  	v46 =	vld [tilespmem:s19+$0x6E90]  }
0x116: {  	v11 =	vmul.f32 v11, v8;
	v12 =	vmul.f32 v44, v7;
	_ =	sdelay $0x1  }
0x117: {  	v13 =	vmul.f32 v45, v9;
	v11 =	vadd.f32 v12, v11;
	_ =	sdelay $0x1  }
0x118: {  	v47 =	vmul.f32 v46, v10;
	v11 =	vadd.f32 v13, v11;
	_ =	sdelay $0x1  }
0x119: {  	v11 =	vadd.f32 v47, v11;
	_ =	sdelay $0x1  }
0x11a: {  	[tilespmem:s21+$0xD610] =	vst v11  }
0x11b: {  	v11 =	vld [tilespmem:s19+$0x620]  }
0x11c: {  	v48 =	vld [tilespmem:s19+$0x6A0];
	_ =	sdelay $0x1  }
0x11d: {  	v49 =	vld [tilespmem:s19+$0x6E20];
	_ =	sdelay $0x1  }
0x11e: {  	v50 =	vld [tilespmem:s19+$0x6EA0]  }
0x11f: {  	v11 =	vmul.f32 v11, v8;
	v12 =	vmul.f32 v48, v7;
	_ =	sdelay $0x1  }
0x120: {  	v13 =	vmul.f32 v49, v9;
	v11 =	vadd.f32 v12, v11;
	_ =	sdelay $0x1  }
0x121: {  	v51 =	vmul.f32 v50, v10;
	v11 =	vadd.f32 v13, v11;
	_ =	sdelay $0x1  }
0x122: {  	v11 =	vadd.f32 v51, v11;
	_ =	sdelay $0x1  }
0x123: {  	[tilespmem:s21+$0xD620] =	vst v11  }
0x124: {  	v11 =	vld [tilespmem:s19+$0x630]  }
0x125: {  	v52 =	vld [tilespmem:s19+$0x6B0];
	_ =	sdelay $0x1  }
0x126: {  	v53 =	vld [tilespmem:s19+$0x6E30];
	_ =	sdelay $0x1  }
0x127: {  	v54 =	vld [tilespmem:s19+$0x6EB0]  }
0x128: {  	v11 =	vmul.f32 v11, v8;
	v12 =	vmul.f32 v52, v7;
	_ =	sdelay $0x1  }
0x129: {  	v13 =	vmul.f32 v53, v9;
	v11 =	vadd.f32 v12, v11;
	_ =	sdelay $0x1  }
0x12a: {  	v55 =	vmul.f32 v54, v10;
	v11 =	vadd.f32 v13, v11;
	_ =	sdelay $0x1  }
0x12b: {  	v11 =	vadd.f32 v55, v11;
	_ =	sdelay $0x1  }
0x12c: {  	[tilespmem:s21+$0xD630] =	vst v11  }
0x12d: {  	v11 =	vld [tilespmem:s19+$0x640]  }
0x12e: {  	v56 =	vld [tilespmem:s19+$0x6C0];
	_ =	sdelay $0x1  }
0x12f: {  	v57 =	vld [tilespmem:s19+$0x6E40];
	_ =	sdelay $0x1  }
0x130: {  	v58 =	vld [tilespmem:s19+$0x6EC0]  }
0x131: {  	v11 =	vmul.f32 v11, v8;
	v12 =	vmul.f32 v56, v7;
	_ =	sdelay $0x1  }
0x132: {  	v13 =	vmul.f32 v57, v9;
	v11 =	vadd.f32 v12, v11;
	_ =	sdelay $0x1  }
0x133: {  	v59 =	vmul.f32 v58, v10;
	v11 =	vadd.f32 v13, v11;
	_ =	sdelay $0x1  }
0x134: {  	v11 =	vadd.f32 v59, v11;
	_ =	sdelay $0x1  }
0x135: {  	[tilespmem:s21+$0xD640] =	vst v11  }
0x136: {  	v11 =	vld [tilespmem:s19+$0x650]  }
0x137: {  	v60 =	vld [tilespmem:s19+$0x6D0];
	_ =	sdelay $0x1  }
0x138: {  	v61 =	vld [tilespmem:s19+$0x6E50];
	_ =	sdelay $0x1  }
0x139: {  	v62 =	vld [tilespmem:s19+$0x6ED0]  }
0x13a: {  	v11 =	vmul.f32 v11, v8;
	v12 =	vmul.f32 v60, v7;
	_ =	sdelay $0x1  }
0x13b: {  	v13 =	vmul.f32 v61, v9;
	v11 =	vadd.f32 v12, v11;
	_ =	sdelay $0x1  }
0x13c: {  	v63 =	vmul.f32 v62, v10;
	v11 =	vadd.f32 v13, v11;
	_ =	sdelay $0x1  }
0x13d: {  	v11 =	vadd.f32 v63, v11;
	_ =	sdelay $0x1  }
0x13e: {  	s24 =	simm.s32 $0x0;
	s23 =	simm.s32 $0x80;
	s22 =	simm.s32 $0x1;
	[tilespmem:s21+$0xD650] =	vst v11  }
.LBB2_4:
0x13f: {  	v11 =	vld [tilespmem:s19+$0x660];
	s18 =	sadd.s32 $0x200, s18;
	s24 =	sadd.s32 $0x100, s24;
	s20 =	sadd.s32 $0x4, s20  }
0x140: {  	p0 =	sne.s32 s22, $0x30;
	s25 =	smov.u32 s22;
	s22 =	sadd.s32 $0x1, s22;
	v12 =	vld [tilespmem:s19+$0x6E0]  }
0x141: {  	_ = 	snop  }
0x142: {  	v13 =	vld [tilespmem:s19+$0x6E60];
	_ =	sdelay $0x1  }
0x143: {  	v11 =	vmul.f32 v11, v8;
	v14 =	vld [tilespmem:s19+$0x6EE0]  }
0x144: {  	v12 =	vmul.f32 v12, v7;
	_ =	sdelay $0x1  }
0x145: {  	v11 =	vadd.f32 v12, v11;
	v12 =	vmul.f32 v13, v9;
	_ =	sdelay $0x1  }
0x146: {  	v11 =	vadd.f32 v12, v11;
	v12 =	vmul.f32 v14, v10;
	_ =	sdelay $0x1  }
0x147: {  	v11 =	vadd.f32 v12, v11;
	_ =	sdelay $0x1  }
0x148: {  	[tilespmem:s21+$0xD660] =	vst v11  }
0x149: {  	v11 =	vld [tilespmem:s19+$0x670]  }
0x14a: {  	s26 =	sand.u32 $0x7800, s18;
	s28 =	sand.u32 $0x300, s24;
	v12 =	vld [tilespmem:s19+$0x6F0]  }
0x14b: {  	s26 =	sor.u32 s28, s26;
	v13 =	vld [tilespmem:s19+$0x6E70]  }
0x14c: {  	v14 =	vld [tilespmem:s19+$0x6EF0];
	s19 =	smov.u32 s26;
	_ =	sdelay $0x1  }
0x14d: {  	v8 =	vmul.f32 v11, v8  }
0x14e: {  	v7 =	vmul.f32 v12, v7  }
0x14f: {  	v9 =	vmul.f32 v13, v9  }
0x150: {  	v7 =	vadd.f32 v7, v8;
	v8 =	vmul.f32 v14, v10;
	_ =	sdelay $0x1  }
0x151: {  	v7 =	vadd.f32 v9, v7;
	_ =	sdelay $0x1  }
0x152: {  	v7 =	vadd.f32 v8, v7;
	_ =	sdelay $0x1  }
0x153: {  	[tilespmem:s21+$0xD670] =	vst v7  }
0x154: {  	v10 =	vld [tilespmem:s20+$0x0]  }
0x155: {  	v11 =	vld [tilespmem:s19+$0x200]  }
0x156: {  	v12 =	vld [tilespmem:s19+$0x280]  }
0x157: {  	s21 =	smulhi.u32 $0x24924925, s25  }
0x158: {  	s26 =	smul.u32 $0x25, s25;
	v13 =	vld [tilespmem:s19+$0x6A00]  }
0x159: {  	s28 =	ssub.s32 s25, s21;
	v8 =	vperm.xlane v10, v3;
	v7 =	vperm.xlane v10, v4  }
0x15a: {  	s26 =	sshrl.u32 s26, $0x8;
	s28 =	sshrl.u32 s28, $0x1;
	v9 =	vperm.xlane v10, v5;
	v10 =	vperm.xlane v10, v6;
	v14 =	vld [tilespmem:s19+$0x6A80]  }
0x15b: {  	s25 =	ssub.s32 s25, s26;
	s21 =	sadd.s32 s21, s28;
	v11 =	vmul.f32 v11, v8;
	v12 =	vmul.f32 v12, v7  }
0x15c: {  	s25 =	sand.u32 $0xFE, s25;
	s21 =	sshrl.u32 s21, $0x2  }
0x15d: {  	s25 =	sshrl.u32 s25, $0x1;
	s28 =	sshll.u32 s21, $0x7;
	s21 =	smul.u32 $0xFFFFF900, s21;
	v11 =	vadd.f32 v12, v11;
	v12 =	vmul.f32 v13, v9  }
0x15e: {  	s25 =	sadd.s32 s26, s25;
	s28 =	sadd.s32 s28, s23  }
0x15f: {  	s25 =	sand.u32 $0xFC, s25;
	s21 =	sadd.s32 s21, s24;
	v11 =	vadd.f32 v12, v11;
	v12 =	vmul.f32 v14, v10  }
0x160: {  	s25 =	sshll.u32 s25, $0x9;
	s21 =	sand.u32 $0xFFFFF800, s21  }
0x161: {  	s26 =	sand.u32 $0x380, s28;
	s21 =	sadd.s32 s21, s25;
	v11 =	vadd.f32 v12, v11  }
0x162: {  	s21 =	sor.u32 s26, s21  }
0x163: {  	[tilespmem:s21+$0xD200] =	vst v11  }
0x164: {  	v11 =	vld [tilespmem:s19+$0x210]  }
0x165: {  	v12 =	vld [tilespmem:s19+$0x290];
	_ =	sdelay $0x1  }
0x166: {  	v13 =	vld [tilespmem:s19+$0x6A10];
	_ =	sdelay $0x1  }
0x167: {  	v11 =	vmul.f32 v11, v8;
	v14 =	vld [tilespmem:s19+$0x6A90]  }
0x168: {  	v12 =	vmul.f32 v12, v7;
	_ =	sdelay $0x1  }
0x169: {  	v11 =	vadd.f32 v12, v11;
	v12 =	vmul.f32 v13, v9;
	_ =	sdelay $0x1  }
0x16a: {  	v11 =	vadd.f32 v12, v11;
	v12 =	vmul.f32 v14, v10;
	_ =	sdelay $0x1  }
0x16b: {  	v11 =	vadd.f32 v12, v11;
	_ =	sdelay $0x1  }
0x16c: {  	[tilespmem:s21+$0xD210] =	vst v11  }
0x16d: {  	v11 =	vld [tilespmem:s19+$0x220]  }
0x16e: {  	v12 =	vld [tilespmem:s19+$0x2A0];
	_ =	sdelay $0x1  }
0x16f: {  	v13 =	vld [tilespmem:s19+$0x6A20];
	_ =	sdelay $0x1  }
0x170: {  	v11 =	vmul.f32 v11, v8;
	v14 =	vld [tilespmem:s19+$0x6AA0]  }
0x171: {  	v12 =	vmul.f32 v12, v7;
	_ =	sdelay $0x1  }
0x172: {  	v11 =	vadd.f32 v12, v11;
	v12 =	vmul.f32 v13, v9;
	_ =	sdelay $0x1  }
0x173: {  	v11 =	vadd.f32 v12, v11;
	v12 =	vmul.f32 v14, v10;
	_ =	sdelay $0x1  }
0x174: {  	v11 =	vadd.f32 v12, v11;
	_ =	sdelay $0x1  }
0x175: {  	[tilespmem:s21+$0xD220] =	vst v11  }
0x176: {  	v11 =	vld [tilespmem:s19+$0x2B0]  }
0x177: {  	v12 =	vld [tilespmem:s19+$0x230]  }
0x178: {  	v13 =	vld [tilespmem:s19+$0x6A30]  }
0x179: {  	v14 =	vld [tilespmem:s19+$0x6AB0];
	_ =	sdelay $0x1  }
0x17a: {  	v11 =	vmul.f32 v11, v7  }
0x17b: {  	v12 =	vmul.f32 v12, v8  }
0x17c: {  	v13 =	vmul.f32 v13, v9  }
0x17d: {  	v11 =	vadd.f32 v11, v12;
	v12 =	vmul.f32 v14, v10;
	_ =	sdelay $0x1  }
0x17e: {  	v11 =	vadd.f32 v13, v11;
	_ =	sdelay $0x1  }
0x17f: {  	v11 =	vadd.f32 v12, v11;
	_ =	sdelay $0x1  }
0x180: {  	[tilespmem:s21+$0xD230] =	vst v11  }
0x181: {  	v11 =	vld [tilespmem:s19+$0x240]  }
0x182: {  	v12 =	vld [tilespmem:s19+$0x2C0]  }
0x183: {  	v13 =	vld [tilespmem:s19+$0x6A40]  }
0x184: {  	v14 =	vld [tilespmem:s19+$0x6AC0];
	_ =	sdelay $0x1  }
0x185: {  	v11 =	vmul.f32 v11, v8  }
0x186: {  	v12 =	vmul.f32 v12, v7  }
0x187: {  	v13 =	vmul.f32 v13, v9  }
0x188: {  	v11 =	vadd.f32 v12, v11;
	v12 =	vmul.f32 v14, v10;
	_ =	sdelay $0x1  }
0x189: {  	v11 =	vadd.f32 v13, v11;
	_ =	sdelay $0x1  }
0x18a: {  	v11 =	vadd.f32 v12, v11;
	_ =	sdelay $0x1  }
0x18b: {  	[tilespmem:s21+$0xD240] =	vst v11  }
0x18c: {  	v11 =	vld [tilespmem:s19+$0x250]  }
0x18d: {  	v12 =	vld [tilespmem:s19+$0x2D0]  }
0x18e: {  	v13 =	vld [tilespmem:s19+$0x6A50]  }
0x18f: {  	v14 =	vld [tilespmem:s19+$0x6AD0];
	_ =	sdelay $0x1  }
0x190: {  	v11 =	vmul.f32 v11, v8  }
0x191: {  	v12 =	vmul.f32 v12, v7  }
0x192: {  	v13 =	vmul.f32 v13, v9  }
0x193: {  	v11 =	vadd.f32 v12, v11;
	v12 =	vmul.f32 v14, v10;
	_ =	sdelay $0x1  }
0x194: {  	v11 =	vadd.f32 v13, v11;
	_ =	sdelay $0x1  }
0x195: {  	v11 =	vadd.f32 v12, v11;
	_ =	sdelay $0x1  }
0x196: {  	[tilespmem:s21+$0xD250] =	vst v11  }
0x197: {  	v11 =	vld [tilespmem:s19+$0x260]  }
0x198: {  	v12 =	vld [tilespmem:s19+$0x2E0]  }
0x199: {  	v13 =	vld [tilespmem:s19+$0x6A60]  }
0x19a: {  	v14 =	vld [tilespmem:s19+$0x6AE0];
	_ =	sdelay $0x1  }
0x19b: {  	v11 =	vmul.f32 v11, v8  }
0x19c: {  	v12 =	vmul.f32 v12, v7  }
0x19d: {  	v13 =	vmul.f32 v13, v9  }
0x19e: {  	v11 =	vadd.f32 v12, v11;
	v12 =	vmul.f32 v14, v10;
	_ =	sdelay $0x1  }
0x19f: {  	v11 =	vadd.f32 v13, v11;
	_ =	sdelay $0x1  }
0x1a0: {  	v11 =	vadd.f32 v12, v11;
	_ =	sdelay $0x1  }
0x1a1: {  	[tilespmem:s21+$0xD260] =	vst v11  }
0x1a2: {  	v11 =	vld [tilespmem:s19+$0x270]  }
0x1a3: {  	v12 =	vld [tilespmem:s19+$0x2F0]  }
0x1a4: {  	v13 =	vld [tilespmem:s19+$0x6A70]  }
0x1a5: {  	v14 =	vld [tilespmem:s19+$0x6AF0];
	_ =	sdelay $0x1  }
0x1a6: {  	v11 =	vmul.f32 v11, v8  }
0x1a7: {  	v12 =	vmul.f32 v12, v7  }
0x1a8: {  	v13 =	vmul.f32 v13, v9  }
0x1a9: {  	v11 =	vadd.f32 v12, v11;
	v12 =	vmul.f32 v14, v10;
	_ =	sdelay $0x1  }
0x1aa: {  	v11 =	vadd.f32 v13, v11;
	_ =	sdelay $0x1  }
0x1ab: {  	v11 =	vadd.f32 v12, v11;
	_ =	sdelay $0x1  }
0x1ac: {  	[tilespmem:s21+$0xD270] =	vst v11  }
0x1ad: {  	v11 =	vld [tilespmem:s19+$0x600]  }
0x1ae: {  	v12 =	vld [tilespmem:s19+$0x680]  }
0x1af: {  	v13 =	vld [tilespmem:s19+$0x6E00]  }
0x1b0: {  	v14 =	vld [tilespmem:s19+$0x6E80];
	_ =	sdelay $0x1  }
0x1b1: {  	v11 =	vmul.f32 v11, v8  }
0x1b2: {  	v12 =	vmul.f32 v12, v7  }
0x1b3: {  	v13 =	vmul.f32 v13, v9  }
0x1b4: {  	v11 =	vadd.f32 v12, v11;
	v12 =	vmul.f32 v14, v10;
	_ =	sdelay $0x1  }
0x1b5: {  	v11 =	vadd.f32 v13, v11;
	_ =	sdelay $0x1  }
0x1b6: {  	v11 =	vadd.f32 v12, v11;
	_ =	sdelay $0x1  }
0x1b7: {  	[tilespmem:s21+$0xD600] =	vst v11  }
0x1b8: {  	v11 =	vld [tilespmem:s19+$0x610]  }
0x1b9: {  	v12 =	vld [tilespmem:s19+$0x690]  }
0x1ba: {  	v13 =	vld [tilespmem:s19+$0x6E10]  }
0x1bb: {  	v14 =	vld [tilespmem:s19+$0x6E90];
	_ =	sdelay $0x1  }
0x1bc: {  	v11 =	vmul.f32 v11, v8  }
0x1bd: {  	v12 =	vmul.f32 v12, v7  }
0x1be: {  	v13 =	vmul.f32 v13, v9  }
0x1bf: {  	v11 =	vadd.f32 v12, v11;
	v12 =	vmul.f32 v14, v10;
	_ =	sdelay $0x1  }
0x1c0: {  	v11 =	vadd.f32 v13, v11;
	_ =	sdelay $0x1  }
0x1c1: {  	v11 =	vadd.f32 v12, v11;
	_ =	sdelay $0x1  }
0x1c2: {  	[tilespmem:s21+$0xD610] =	vst v11  }
0x1c3: {  	v11 =	vld [tilespmem:s19+$0x620]  }
0x1c4: {  	v12 =	vld [tilespmem:s19+$0x6A0]  }
0x1c5: {  	v13 =	vld [tilespmem:s19+$0x6E20]  }
0x1c6: {  	v14 =	vld [tilespmem:s19+$0x6EA0];
	_ =	sdelay $0x1  }
0x1c7: {  	v11 =	vmul.f32 v11, v8  }
0x1c8: {  	v12 =	vmul.f32 v12, v7  }
0x1c9: {  	v13 =	vmul.f32 v13, v9  }
0x1ca: {  	v11 =	vadd.f32 v12, v11;
	v12 =	vmul.f32 v14, v10;
	_ =	sdelay $0x1  }
0x1cb: {  	v11 =	vadd.f32 v13, v11;
	_ =	sdelay $0x1  }
0x1cc: {  	v11 =	vadd.f32 v12, v11;
	_ =	sdelay $0x1  }
0x1cd: {  	[tilespmem:s21+$0xD620] =	vst v11  }
0x1ce: {  	v11 =	vld [tilespmem:s19+$0x630]  }
0x1cf: {  	v12 =	vld [tilespmem:s19+$0x6B0]  }
0x1d0: {  	v13 =	vld [tilespmem:s19+$0x6E30]  }
0x1d1: {  	v14 =	vld [tilespmem:s19+$0x6EB0];
	_ =	sdelay $0x1  }
0x1d2: {  	v11 =	vmul.f32 v11, v8  }
0x1d3: {  	v12 =	vmul.f32 v12, v7  }
0x1d4: {  	v13 =	vmul.f32 v13, v9  }
0x1d5: {  	v11 =	vadd.f32 v12, v11;
	v12 =	vmul.f32 v14, v10;
	_ =	sdelay $0x1  }
0x1d6: {  	v11 =	vadd.f32 v13, v11;
	_ =	sdelay $0x1  }
0x1d7: {  	v11 =	vadd.f32 v12, v11;
	_ =	sdelay $0x1  }
0x1d8: {  	[tilespmem:s21+$0xD630] =	vst v11  }
0x1d9: {  	v11 =	vld [tilespmem:s19+$0x640]  }
0x1da: {  	v12 =	vld [tilespmem:s19+$0x6C0]  }
0x1db: {  	v13 =	vld [tilespmem:s19+$0x6E40]  }
0x1dc: {  	v14 =	vld [tilespmem:s19+$0x6EC0];
	_ =	sdelay $0x1  }
0x1dd: {  	v11 =	vmul.f32 v11, v8  }
0x1de: {  	v12 =	vmul.f32 v12, v7  }
0x1df: {  	v13 =	vmul.f32 v13, v9  }
0x1e0: {  	v11 =	vadd.f32 v12, v11;
	v12 =	vmul.f32 v14, v10;
	_ =	sdelay $0x1  }
0x1e1: {  	v11 =	vadd.f32 v13, v11;
	_ =	sdelay $0x1  }
0x1e2: {  	v11 =	vadd.f32 v12, v11;
	_ =	sdelay $0x1  }
0x1e3: {  	[tilespmem:s21+$0xD640] =	vst v11  }
0x1e4: {  	v11 =	vld [tilespmem:s19+$0x650]  }
0x1e5: {  	v12 =	vld [tilespmem:s19+$0x6D0]  }
0x1e6: {  	v13 =	vld [tilespmem:s19+$0x6E50]  }
0x1e7: {  	v14 =	vld [tilespmem:s19+$0x6ED0];
	_ =	sdelay $0x1  }
0x1e8: {  	v11 =	vmul.f32 v11, v8  }
0x1e9: {  	v12 =	vmul.f32 v12, v7  }
0x1ea: {  	v13 =	vmul.f32 v13, v9  }
0x1eb: {  	v11 =	vadd.f32 v12, v11;
	v12 =	vmul.f32 v14, v10;
	_ =	sdelay $0x1  }
.Ltmp5:
0x1ec: {  	v11 =	vadd.f32 v13, v11;
	(pc) =	sbr.rel @p0 .LBB2_4-.Ltmp5, $3  }
0x1ed: {  	_ = 	snop  }
0x1ee: {  	v11 =	vadd.f32 v12, v11;
	_ =	sdelay $0x1  }
0x1ef: {  	s23 =	sadd.s32 $0x80, s23;
	[tilespmem:s21+$0xD650] =	vst v11  }
0x1f0: {  	v11 =	vld [tilespmem:s19+$0x660]  }
0x1f1: {  	v12 =	vld [tilespmem:s19+$0x6E0];
	_ =	sdelay $0x1  }
0x1f2: {  	v13 =	vld [tilespmem:s19+$0x6E60];
	_ =	sdelay $0x1  }
0x1f3: {  	v14 =	vld [tilespmem:s19+$0x6EE0]  }
0x1f4: {  	v11 =	vmul.f32 v11, v8;
	v12 =	vmul.f32 v12, v7;
	_ =	sdelay $0x1  }
0x1f5: {  	v58 =	vmul.f32 v13, v9;
	v11 =	vadd.f32 v12, v11;
	_ =	sdelay $0x1  }
0x1f6: {  	v59 =	vmul.f32 v14, v10;
	v11 =	vadd.f32 v58, v11;
	_ =	sdelay $0x1  }
0x1f7: {  	v11 =	vadd.f32 v59, v11;
	_ =	sdelay $0x1  }
0x1f8: {  	[tilespmem:s21+$0xD660] =	vst v11  }
0x1f9: {  	v11 =	vld [tilespmem:s19+$0x670]  }
0x1fa: {  	v60 =	vld [tilespmem:s19+$0x6F0];
	_ =	sdelay $0x1  }
0x1fb: {  	v61 =	vld [tilespmem:s19+$0x6E70];
	_ =	sdelay $0x1  }
0x1fc: {  	v62 =	vld [tilespmem:s19+$0x6EF0]  }
0x1fd: {  	v8 =	vmul.f32 v11, v8;
	v7 =	vmul.f32 v60, v7  }
0x1fe: {  	p0 =	sgt.u32 s16, $0x3E7;
	s16 =	simm.s32 $0xFFFFFC18  }
0x1ff: {  	s16 =	simm.s32 @!p0 $0x0;
	v63 =	vmul.f32 v61, v9;
	v7 =	vadd.f32 v7, v8  }
0x200: {  	s16 =	sadd.s32 s17, s16  }
0x201: {  	s17 =	simm.s32 $0xDAC000;
	s16 =	smul.u32 $0x3800, s16;
	v8 =	vmul.f32 v62, v10;
	v7 =	vadd.f32 v63, v7  }
0x202: {  	s17 =	simm.s32 @!p0 $0x0  }
0x203: {  	s16 =	sadd.s32 s17, s16;
	v7 =	vadd.f32 v8, v7  }
0x204: {  	s16 =	sshrl.u32 s16, $0x3  }
.Ltmp6:
0x205: {  	s28 =	simm.s32 $0x0;
	s16 =	sadd.s32 s6, s16;
	[tilespmem:s21+$0xD670] =	vst v7;
	(pc) =	sbr.rel .LBB2_6-.Ltmp6, $4  }
0x206: {  	[hbm4b:s16+s28] =	stream.linear.scatter [tilespmem:s13], [sflag:$0x3], $0x3800, $0x38;
	[tilespmem:$0x10A00] =	vst v63  }
0x207: {  	_ =	swait.ge [sflag:s14], $0x3800  }
0x208: {  	[sflag:s14] =	ssyncset.done $0x0  }
0x209: {  	[sflag:s14] =	ssyncadd.s32 $0xFFFFC800  }
.LBB2_8:
0x20a: {  	_ =	sfence.sel $0x180000  }
0x20b: {  	[bflag:$0x0] =	sbarrier.arrive $0xFFFF  }
0x20c: {  	_ =	strace $0x90000047  }
0x20d: {  	s0 =	stileid.u32;
	[bflag:$0x2] =	sbarrier.arrive $0xFFFF  }
0x20e: {  	p0 =	sne.s32 s0, $0x0;
	s0 =	rddreg [dreg:$0x2]  }
0x20f: {  	s0 =	sadd.s32 @!p0 $0x100000, s0  }
0x210: {  	[sflag:s0] =	ssyncadd.tile.s32 @!p0 $0x1;
	_ =	shalt  }
.Lfunc_end2:
_tile_overlayer_lowered:
.L_overlay_start_2:
0x211: {  	(tag) =	ssettag $0x2  }
0x212: {  	s0 =	rddreg [dreg:$0x0];
	s2 =	stileid.u32  }
0x213: {  	s1 =	rddreg [dreg:$0x1];
	p0 =	sne.s32 s2, $0x0  }
0x214: {  	s3 =	rddreg [dreg:$0x2];
	[bflag:$0x3] =	sbarrier.arrive $0xFFFF;
	s2 =	simm.s32 @!p0 $0x1C03  }
0x215: {  	[timem:s3], [sflag:s2] =	dma.local @!p0 [hbm:s0], s1  }
0x216: {  	s0 =	simm.s32 @!p0 $0x3  }
0x217: {  	_ =	swait.ge @!p0 [sflag:s0], s1  }
0x218: {  	s1 =	ssub.s32 @!p0 $0x0, s1;
	[sflag:s0] =	ssyncset.done @!p0 $0x0  }
0x219: {  	[sflag:s0] =	ssyncadd.s32 @!p0 s1  }
0x21a: {  	[bflag:$0x3] =	sbarrier.arrive $0xFFFF  }
0x21b: {  	_ =	shalt  }

</sc_bundles>
